<compile_context>
chip_gen: v7x
topology: tpu7x:2x2x1
jax: 0.10.2.dev20260603
libtpu: 0.0.44.dev20260713+nightly
codegen_flags: <defaults>
</compile_context>

<pallas_src>
import functools

import jax
import jax.numpy as jnp
from jax import lax
from jax.experimental import pallas as pl
from jax.experimental.pallas import tpu as pltpu
from jax.experimental.pallas import tpu_sc as plsc

_N = 2048
_K = 1024
_D = 32
_BN = 256
_NB = _N // _BN
_GAMMA = 0.99

_NC, _NS, _L = 2, 16, 16
_NW = _NC * _NS
_RPW = _N // _NW
_KPW = _K // _NW
_P = 128


def _vq_dist_kernel(f_ref, ct_ref, maskf_ref, cb_ref,
                    af_ref, ar_ref, loss_ref, total_ref, fp_ref, cbp_ref,
                    colmin_ref, colarg_ref, loss_acc_ref, tot_acc_ref):
    b = pl.program_id(0)

    @pl.when(b == 0)
    def _init():
        colmin_ref[:] = jnp.full((1, _K), jnp.inf, jnp.float32)
        colarg_ref[:] = jnp.zeros((1, _K), jnp.int32)
        loss_acc_ref[:] = jnp.zeros((1, 1), jnp.float32)
        tot_acc_ref[:] = jnp.zeros((1, 1), jnp.float32)
        cbp_ref[:] = jnp.concatenate(
            [cb_ref[:], jnp.zeros((_K, _P - _D), jnp.float32)], axis=1)

    f = f_ref[:]
    ct = ct_ref[:]
    maskf = maskf_ref[:]
    fp_ref[:] = jnp.concatenate(
        [f, maskf, jnp.zeros((_BN, _P - _D - 1), jnp.float32)], axis=1)

    acc = jnp.zeros((_BN, _K), jnp.float32)
    for d in range(_D):
        diff = f[:, d:d + 1] - ct[d:d + 1, :]
        acc = acc + diff * diff

    inf = jnp.float32(jnp.inf)
    dm = jnp.where(maskf > 0, acc, inf)

    lane_iota = jax.lax.broadcasted_iota(jnp.int32, (_BN, _K), 1)
    sub_iota = jax.lax.broadcasted_iota(jnp.int32, (_BN, _K), 0)

    min_row = jnp.min(dm, axis=1, keepdims=True)
    af_ref[:] = jnp.min(jnp.where(dm == min_row, lane_iota, _K),
                        axis=1, keepdims=True).astype(jnp.int32)

    blk_colmin = jnp.min(dm, axis=0, keepdims=True)
    blk_colarg = jnp.min(jnp.where(dm == blk_colmin, sub_iota + b * _BN, _N),
                         axis=0, keepdims=True).astype(jnp.int32)
    better = blk_colmin < colmin_ref[:]
    colarg_ref[:] = jnp.where(better, blk_colarg, colarg_ref[:])
    colmin_ref[:] = jnp.minimum(blk_colmin, colmin_ref[:])

    loss_acc_ref[:] = loss_acc_ref[:] + jnp.sum(
        jnp.where(maskf > 0, min_row, 0.0) / _D, keepdims=True)
    tot_acc_ref[:] = tot_acc_ref[:] + jnp.sum(maskf, keepdims=True)

    @pl.when(b == _NB - 1)
    def _fin():
        ar_ref[:] = colarg_ref[:]
        total = jnp.maximum(tot_acc_ref[:], 1.0)
        loss_ref[:] = loss_acc_ref[:] / total
        total_ref[:] = total


def _stage_a(features, maskf, ct, codebook):
    full = lambda s: pl.BlockSpec(s, lambda b: (0, 0))
    return pl.pallas_call(
        _vq_dist_kernel,
        grid=(_NB,),
        in_specs=[
            pl.BlockSpec((_BN, _D), lambda b: (b, 0)),
            full((_D, _K)),
            pl.BlockSpec((_BN, 1), lambda b: (b, 0)),
            full((_K, _D)),
        ],
        out_specs=[
            pl.BlockSpec((_BN, 1), lambda b: (b, 0)),
            full((1, _K)),
            full((1, 1)),
            full((1, 1)),
            pl.BlockSpec((_BN, _P), lambda b: (b, 0)),
            full((_K, _P)),
        ],
        out_shape=[
            jax.ShapeDtypeStruct((_N, 1), jnp.int32),
            jax.ShapeDtypeStruct((1, _K), jnp.int32),
            jax.ShapeDtypeStruct((1, 1), jnp.float32),
            jax.ShapeDtypeStruct((1, 1), jnp.float32),
            jax.ShapeDtypeStruct((_N, _P), jnp.float32),
            jax.ShapeDtypeStruct((_K, _P), jnp.float32),
        ],
        scratch_shapes=[
            pltpu.VMEM((1, _K), jnp.float32),
            pltpu.VMEM((1, _K), jnp.int32),
            pltpu.VMEM((1, 1), jnp.float32),
            pltpu.VMEM((1, 1), jnp.float32),
        ],
    )(features, ct, maskf, codebook)


_sc_mesh = plsc.VectorSubcoreMesh(core_axis_name="c", subcore_axis_name="s",
                                  num_cores=_NC, num_subcores=_NS)


@functools.partial(
    pl.kernel,
    out_type=[
        jax.ShapeDtypeStruct((_N, _P), jnp.float32),
        jax.ShapeDtypeStruct((_K, _P), jnp.float32),
        jax.ShapeDtypeStruct((_NW, _K), jnp.float32),
        jax.ShapeDtypeStruct((_NC, _K, _P), jnp.float32),
    ],
    mesh=_sc_mesh,
    compiler_params=pltpu.CompilerParams(needs_layout_passes=False),
    scratch_types=[
        pltpu.VMEM((_RPW,), jnp.int32),
        pltpu.VMEM((_RPW,), jnp.float32),
        pltpu.VMEM((_RPW, _P), jnp.float32),
        pltpu.VMEM((_RPW, _P), jnp.float32),
        pltpu.VMEM((_KPW,), jnp.int32),
        pltpu.VMEM((_KPW, _P), jnp.float32),
        pltpu.VMEM((_K,), jnp.float32),
        pltpu.VMEM_SHARED((_K, _P), jnp.float32),
        pltpu.SemaphoreType.DMA,
    ],
)
def _vq_sc_kernel(af_hbm, ar_hbm, maskf_hbm, feat_hbm, cb_hbm,
                  zeros1_hbm, zeros2_hbm,
                  outf_hbm, frev_hbm, histp_hbm, fsump_hbm,
                  af_v, mk_v, rows_v, frows_v, ar_v, rrows_v, hist_v,
                  fsum_sh, sem):
    cidx = lax.axis_index("c")
    sidx = lax.axis_index("s")
    w = sidx * _NC + cidx
    base = w * _RPW
    rbase = w * _KPW

    @pl.when(sidx == 0)
    def _zero_shared():
        pltpu.sync_copy(zeros2_hbm, fsum_sh)

    pltpu.sync_copy(af_hbm.at[pl.ds(base, _RPW)], af_v)
    pltpu.async_copy(cb_hbm.at[af_v], rows_v, sem).wait()
    pltpu.sync_copy(rows_v, outf_hbm.at[pl.ds(base, _RPW)])

    pltpu.sync_copy(ar_hbm.at[pl.ds(rbase, _KPW)], ar_v)
    pltpu.async_copy(feat_hbm.at[ar_v], rrows_v, sem).wait()
    pltpu.sync_copy(rrows_v, frev_hbm.at[pl.ds(rbase, _KPW)])

    pltpu.sync_copy(zeros1_hbm, hist_v)
    pltpu.sync_copy(maskf_hbm.at[pl.ds(base, _RPW)], mk_v)
    for g in range(_RPW // _L):
        idx16 = af_v[pl.ds(g * _L, _L)]
        val16 = mk_v[pl.ds(g * _L, _L)]
        plsc.addupdate_scatter(hist_v, [idx16], val16)
    pltpu.sync_copy(hist_v, histp_hbm.at[w])

    pltpu.sync_copy(feat_hbm.at[pl.ds(base, _RPW)], frows_v)
    plsc.subcore_barrier()
    pltpu.sync_copy(frows_v, fsum_sh.at[af_v], add=True)
    plsc.subcore_barrier()

    @pl.when(sidx == 0)
    def _flush_shared():
        pltpu.sync_copy(fsum_sh, fsump_hbm.at[cidx])


def _vq_upd_kernel(histp_ref, fsump_ref, cb_ref, cnt_ref, avg_ref,
                   frev_ref, total_ref,
                   unas_ref, cnt_out_ref, avg_out_ref, cb_out_ref):
    histp = histp_ref[:]
    ones = jnp.ones((_NW, 1), jnp.float32)
    hist = jax.lax.dot_general(histp, ones, (((0,), (0,)), ((), ())),
                               preferred_element_type=jnp.float32)
    fsum = jnp.sum(fsump_ref[:], axis=0)[:, :_D]
    cb = cb_ref[:]
    total = total_ref[0, 0]

    g = _GAMMA
    cnt_new = (1 - g) * hist + g * cnt_ref[:]
    avg_new = (1 - g) * hist / total + g * avg_ref[:]
    alpha = jnp.exp(-avg_new * _K * 10 / (1 - g) - 0.001)
    assigned = (g * cb + (1 - g) * fsum) / jnp.maximum(cnt_new, 1.0)
    unassigned = (1 - alpha) * cb + alpha * frev_ref[:, :_D]
    upd = jnp.where(hist < 1, assigned, unassigned)
    cb_out_ref[:] = cb + (cb - upd)
    cnt_out_ref[:] = cnt_new
    avg_out_ref[:] = avg_new
    unas_ref[:] = jnp.sum((hist > 0).astype(jnp.float32), keepdims=True) / _K


def _stage_c(histp, fsump, codebook, cnt, av, frev, total):
    return pl.pallas_call(
        _vq_upd_kernel,
        out_shape=[
            jax.ShapeDtypeStruct((1, 1), jnp.float32),
            jax.ShapeDtypeStruct((_K, 1), jnp.float32),
            jax.ShapeDtypeStruct((_K, 1), jnp.float32),
            jax.ShapeDtypeStruct((_K, _D), jnp.float32),
        ],
    )(histp, fsump, codebook, cnt, av, frev, total)


def kernel(features, mask, codebook, count, avg):
    maskf = mask.astype(jnp.float32).reshape(_N, 1)
    ct = codebook.T
    cnt = count.reshape(_K, 1)
    av = avg.reshape(_K, 1)

    af2, ar2, loss, total, feat_pad, cb_pad = _stage_a(
        features, maskf, ct, codebook)
    af = af2.reshape(_N)
    ar = ar2.reshape(_K)

    zeros1 = jnp.zeros((_K,), jnp.float32)
    zeros2 = jnp.zeros((_K, _P), jnp.float32)
    outf_pad, frev, histp, fsump = _vq_sc_kernel(
        af, ar, maskf.reshape(_N), feat_pad, cb_pad, zeros1, zeros2)
    outf = outf_pad[:, :_D]

    unas, cnt_o, avg_o, cb_o = _stage_c(histp, fsump, codebook, cnt, av,
                                        frev, total)
    return (outf, af, loss.reshape(()), unas.reshape(()),
            cnt_o.reshape(_K), avg_o.reshape(_K), cb_o)

# --- scband reference (transcript-rebuilt; emitter-appended) ---
"""Pipeline reference for scband-vqstate-25881472925810 (READ-ONLY COPY).

The authoritative reference and input builder live on the scoring server;
editing this copy changes nothing except your own understanding.
"""

import jax, jax.numpy as jnp
import numpy as np

CODEBOOK_SIZE = 1024
DIM = 32
N = 2048
GAMMA = 0.99


def setup_inputs(seed: int = 0):
    key = jax.random.key(seed)
    k1, k2 = jax.random.split(key)
    features = jax.random.normal(k1, (N, DIM), dtype=jnp.float32)
    mask = jnp.ones((N,), dtype=bool)
    # haiku states materialized as explicit params
    codebook = jax.random.normal(k2, (CODEBOOK_SIZE, DIM), dtype=jnp.float32)
    count = jnp.zeros((CODEBOOK_SIZE,), dtype=jnp.float32)
    avg = jnp.zeros((CODEBOOK_SIZE,), dtype=jnp.float32)
    return {"features": features, "mask": mask, "codebook": codebook, "count": count, "avg": avg}


def reference(features, mask, codebook, count, avg):
    gamma = GAMMA

    def replace_gradient(x, y):
        return jax.lax.stop_gradient(x) + y - jax.lax.stop_gradient(y)

    prev_codebook = codebook
    distance = ((features[:, None, :] - codebook[None, :, :]) ** 2).sum(axis=-1)
    distance = jnp.where(mask[:, None], distance, jnp.inf)
    assign_fwd = jnp.argmin(distance, axis=1)
    assign_rev = jnp.argmin(distance, axis=0)
    features_fwd = codebook[assign_fwd]
    features_rev = features[assign_rev]
    out_features = replace_gradient(features_fwd, features)
    total = jnp.maximum(mask.sum(), 1)
    codebook_loss = ((features_fwd - jax.lax.stop_gradient(features)) ** 2).mean(axis=-1)
    codebook_loss = jnp.where(mask, codebook_loss, 0).sum() / total
    commitment_loss = ((jax.lax.stop_gradient(features_fwd) - features) ** 2).mean(axis=-1)
    commitment_loss = jnp.where(mask, commitment_loss, 0).sum() / total
    assignment_count = jnp.zeros((CODEBOOK_SIZE,), dtype=jnp.float32).at[assign_fwd].add(mask.astype(jnp.float32))
    # no mapped_axes: psum is identity here
    assignment_mask = assignment_count < 1
    count = (1 - gamma) * assignment_count + gamma * count
    avg = (1 - gamma) * assignment_count / total + gamma * avg
    alpha = jnp.exp(-avg * codebook.shape[0] * 10 / (1 - gamma) - 0.001)
    assigned_update = gamma * codebook + (1 - gamma) * jnp.zeros_like(codebook).at[assign_fwd].add(features)
    assigned_update = assigned_update / jnp.maximum(count[:, None], 1)
    unassigned_update = (1 - alpha)[:, None] * codebook + alpha[:, None] * features_rev
    codebook_updated = jnp.where(assignment_mask[:, None], assigned_update, unassigned_update)
    codebook_delta = prev_codebook - codebook_updated
    # no mapped_axes: pmean is identity here
    codebook_out = prev_codebook + codebook_delta
    unassigned_percent = (assignment_count > 0).mean()
    return (out_features, assign_fwd, commitment_loss, unassigned_percent, count, avg, codebook_out)

if __name__ == "__main__":
    import jax
    _d = setup_inputs()
    print(jax.jit(kernel)(*tuple(_d.values())))

</pallas_src>

<mosaic_0001>
#map = affine_map<(d0, d1) -> (0)>
#map1 = affine_map<(d0, d1) -> (0, 0)>
#map2 = affine_map<(d0, d1) -> (0, 0, 0)>
module attributes {stable_mosaic.version = 14 : i64} {
  func.func @_vq_sc_kernel(%arg0: i32, %arg1: i32, %arg2: memref<2048xi32, #tpu.memory_space<hbm>>, %arg3: memref<1024xi32, #tpu.memory_space<hbm>>, %arg4: memref<2048xf32, #tpu.memory_space<hbm>>, %arg5: memref<2048x128xf32, #tpu.memory_space<hbm>>, %arg6: memref<1024x128xf32, #tpu.memory_space<hbm>>, %arg7: memref<1024xf32, #tpu.memory_space<hbm>>, %arg8: memref<1024x128xf32, #tpu.memory_space<hbm>>, %arg9: memref<2048x128xf32, #tpu.memory_space<hbm>>, %arg10: memref<1024x128xf32, #tpu.memory_space<hbm>>, %arg11: memref<32x1024xf32, #tpu.memory_space<hbm>>, %arg12: memref<2x1024x128xf32, #tpu.memory_space<hbm>>, %arg13: memref<64xi32, #tpu.memory_space<vmem>>, %arg14: memref<64xf32, #tpu.memory_space<vmem>>, %arg15: memref<64x128xf32, #tpu.memory_space<vmem>>, %arg16: memref<64x128xf32, #tpu.memory_space<vmem>>, %arg17: memref<32xi32, #tpu.memory_space<vmem>>, %arg18: memref<32x128xf32, #tpu.memory_space<vmem>>, %arg19: memref<1024xf32, #tpu.memory_space<vmem>>, %arg20: memref<1024x128xf32, #tpu.memory_space<vmem_shared>>, %arg21: memref<!tpu.dma_semaphore, #tpu.memory_space<semaphore_mem>>) attributes {dimension_semantics = [#tpu.dimension_semantics<core_parallel>, #tpu.dimension_semantics<subcore_parallel>], iteration_bounds = array<i64: 2, 16>, scalar_prefetch = 0 : i64, scratch_operands = 9 : i64, tpu.core_type = #tpu.core_type<sc_vector_subcore>, window_params = [{transform_indices = #map}, {transform_indices = #map}, {transform_indices = #map}, {transform_indices = #map1}, {transform_indices = #map1}, {transform_indices = #map}, {transform_indices = #map1}, {transform_indices = #map1}, {transform_indices = #map1}, {transform_indices = #map1}, {transform_indices = #map2}]} {
    %mul3A = arith.constant 2 : i32
    %mul3A_0 = arith.muli %arg1, %mul3A : i32
    %add3A = arith.addi %mul3A_0, %arg0 : i32
    %mul3A_1 = arith.constant 64 : i32
    %mul3A_2 = arith.muli %add3A, %mul3A_1 : i32
    %mul3A_3 = arith.constant 32 : i32
    %mul3A_4 = arith.muli %add3A, %mul3A_3 : i32
    %eq3A = arith.constant 0 : i32
    %eq3A_5 = arith.cmpi eq, %arg1, %eq3A : i32
    %convert_element_type3A = arith.extui %eq3A_5 : i1 to i32
    %cond3A = arith.constant 0 : i32
    %cond3A_6 = arith.cmpi ne, %convert_element_type3A, %cond3A : i32
    scf.if %cond3A_6 {
      "tpu.region"() ({
        %run_scoped3A = tpu.sem_alloc : memref<!tpu.dma_semaphore, #tpu.memory_space<semaphore_mem>>
        tpu.enqueue_dma source(%arg8 : memref<1024x128xf32, #tpu.memory_space<hbm>>) target(%arg20 : memref<1024x128xf32, #tpu.memory_space<vmem_shared>>) target_semaphore(%run_scoped3A : memref<!tpu.dma_semaphore, #tpu.memory_space<semaphore_mem>>)
        tpu.wait_dma2 semaphore(%run_scoped3A : memref<!tpu.dma_semaphore, #tpu.memory_space<semaphore_mem>>) src(%arg8 : memref<1024x128xf32, #tpu.memory_space<hbm>>) dst(%arg20 : memref<1024x128xf32, #tpu.memory_space<vmem_shared>>)
        tpu.yield
      }) : () -> ()
    } else {
    }
    "tpu.region"() ({
      %run_scoped3A = tpu.sem_alloc : memref<!tpu.dma_semaphore, #tpu.memory_space<semaphore_mem>>
      %dma_start3A_38 = tpu.memref_slice %arg2[%mul3A_2] : memref<2048xi32, #tpu.memory_space<hbm>> -> memref<64xi32, #tpu.memory_space<hbm>>
      %dma_start3A_39 = tpu.memref_slice %arg2[%mul3A_2] : memref<2048xi32, #tpu.memory_space<hbm>> -> memref<64xi32, #tpu.memory_space<hbm>>
      tpu.enqueue_dma source(%dma_start3A_39 : memref<64xi32, #tpu.memory_space<hbm>>) target(%arg13 : memref<64xi32, #tpu.memory_space<vmem>>) target_semaphore(%run_scoped3A : memref<!tpu.dma_semaphore, #tpu.memory_space<semaphore_mem>>)
      %dma_wait3A_40 = tpu.memref_slice %arg2[%mul3A_2] : memref<2048xi32, #tpu.memory_space<hbm>> -> memref<64xi32, #tpu.memory_space<hbm>>
      %dma_wait3A_41 = tpu.memref_slice %arg2[%mul3A_2] : memref<2048xi32, #tpu.memory_space<hbm>> -> memref<64xi32, #tpu.memory_space<hbm>>
      tpu.wait_dma2 semaphore(%run_scoped3A : memref<!tpu.dma_semaphore, #tpu.memory_space<semaphore_mem>>) src(%dma_wait3A_41 : memref<64xi32, #tpu.memory_space<hbm>>) dst(%arg13 : memref<64xi32, #tpu.memory_space<vmem>>)
      tpu.yield
    }) : () -> ()
    %dma_start3A = arith.constant 0 : i32
    %dma_start3A_7 = arith.constant 0 : i32
    %dma_start3A_8 = tpu.memref_slice %arg6[%dma_start3A, %dma_start3A_7] : memref<1024x128xf32, #tpu.memory_space<hbm>> -> memref<1024x128xf32, #tpu.memory_space<hbm>>
    tpu.enqueue_indirect_dma source(%dma_start3A_8 : memref<1024x128xf32, #tpu.memory_space<hbm>>) target(%arg15 : memref<64x128xf32, #tpu.memory_space<vmem>>) offsets(%arg13 : memref<64xi32, #tpu.memory_space<vmem>>) semaphore(%arg21 : memref<!tpu.dma_semaphore, #tpu.memory_space<semaphore_mem>>)
    %dma_wait3A = arith.constant 0 : i32
    %dma_wait3A_9 = arith.constant 0 : i32
    %dma_wait3A_10 = tpu.memref_slice %arg6[%dma_wait3A, %dma_wait3A_9] : memref<1024x128xf32, #tpu.memory_space<hbm>> -> memref<1024x128xf32, #tpu.memory_space<hbm>>
    tpu.wait_indirect_dma semaphore(%arg21 : memref<!tpu.dma_semaphore, #tpu.memory_space<semaphore_mem>>) src(%dma_wait3A_10 : memref<1024x128xf32, #tpu.memory_space<hbm>>) dst(%arg15 : memref<64x128xf32, #tpu.memory_space<vmem>>)
    "tpu.region"() ({
      %run_scoped3A = tpu.sem_alloc : memref<!tpu.dma_semaphore, #tpu.memory_space<semaphore_mem>>
      %dma_start3A_38 = arith.constant 0 : i32
      %dma_start3A_39 = tpu.memref_slice %arg9[%mul3A_2, %dma_start3A_38] : memref<2048x128xf32, #tpu.memory_space<hbm>> -> memref<64x128xf32, #tpu.memory_space<hbm>>
      %dma_start3A_40 = arith.constant 0 : i32
      %dma_start3A_41 = tpu.memref_slice %arg9[%mul3A_2, %dma_start3A_40] : memref<2048x128xf32, #tpu.memory_space<hbm>> -> memref<64x128xf32, #tpu.memory_space<hbm>>
      tpu.enqueue_dma source(%arg15 : memref<64x128xf32, #tpu.memory_space<vmem>>) target(%dma_start3A_41 : memref<64x128xf32, #tpu.memory_space<hbm>>) target_semaphore(%run_scoped3A : memref<!tpu.dma_semaphore, #tpu.memory_space<semaphore_mem>>)
      %dma_wait3A_42 = arith.constant 0 : i32
      %dma_wait3A_43 = tpu.memref_slice %arg9[%mul3A_2, %dma_wait3A_42] : memref<2048x128xf32, #tpu.memory_space<hbm>> -> memref<64x128xf32, #tpu.memory_space<hbm>>
      %dma_wait3A_44 = arith.constant 0 : i32
      %dma_wait3A_45 = tpu.memref_slice %arg9[%mul3A_2, %dma_wait3A_44] : memref<2048x128xf32, #tpu.memory_space<hbm>> -> memref<64x128xf32, #tpu.memory_space<hbm>>
      tpu.wait_dma2 semaphore(%run_scoped3A : memref<!tpu.dma_semaphore, #tpu.memory_space<semaphore_mem>>) src(%arg15 : memref<64x128xf32, #tpu.memory_space<vmem>>) dst(%dma_wait3A_45 : memref<64x128xf32, #tpu.memory_space<hbm>>)
      tpu.yield
    }) : () -> ()
    "tpu.region"() ({
      %run_scoped3A = tpu.sem_alloc : memref<!tpu.dma_semaphore, #tpu.memory_space<semaphore_mem>>
      %dma_start3A_38 = tpu.memref_slice %arg3[%mul3A_4] : memref<1024xi32, #tpu.memory_space<hbm>> -> memref<32xi32, #tpu.memory_space<hbm>>
      %dma_start3A_39 = tpu.memref_slice %arg3[%mul3A_4] : memref<1024xi32, #tpu.memory_space<hbm>> -> memref<32xi32, #tpu.memory_space<hbm>>
      tpu.enqueue_dma source(%dma_start3A_39 : memref<32xi32, #tpu.memory_space<hbm>>) target(%arg17 : memref<32xi32, #tpu.memory_space<vmem>>) target_semaphore(%run_scoped3A : memref<!tpu.dma_semaphore, #tpu.memory_space<semaphore_mem>>)
      %dma_wait3A_40 = tpu.memref_slice %arg3[%mul3A_4] : memref<1024xi32, #tpu.memory_space<hbm>> -> memref<32xi32, #tpu.memory_space<hbm>>
      %dma_wait3A_41 = tpu.memref_slice %arg3[%mul3A_4] : memref<1024xi32, #tpu.memory_space<hbm>> -> memref<32xi32, #tpu.memory_space<hbm>>
      tpu.wait_dma2 semaphore(%run_scoped3A : memref<!tpu.dma_semaphore, #tpu.memory_space<semaphore_mem>>) src(%dma_wait3A_41 : memref<32xi32, #tpu.memory_space<hbm>>) dst(%arg17 : memref<32xi32, #tpu.memory_space<vmem>>)
      tpu.yield
    }) : () -> ()
    %dma_start3A_11 = arith.constant 0 : i32
    %dma_start3A_12 = arith.constant 0 : i32
    %dma_start3A_13 = tpu.memref_slice %arg5[%dma_start3A_11, %dma_start3A_12] : memref<2048x128xf32, #tpu.memory_space<hbm>> -> memref<2048x128xf32, #tpu.memory_space<hbm>>
    tpu.enqueue_indirect_dma source(%dma_start3A_13 : memref<2048x128xf32, #tpu.memory_space<hbm>>) target(%arg18 : memref<32x128xf32, #tpu.memory_space<vmem>>) offsets(%arg17 : memref<32xi32, #tpu.memory_space<vmem>>) semaphore(%arg21 : memref<!tpu.dma_semaphore, #tpu.memory_space<semaphore_mem>>)
    %dma_wait3A_14 = arith.constant 0 : i32
    %dma_wait3A_15 = arith.constant 0 : i32
    %dma_wait3A_16 = tpu.memref_slice %arg5[%dma_wait3A_14, %dma_wait3A_15] : memref<2048x128xf32, #tpu.memory_space<hbm>> -> memref<2048x128xf32, #tpu.memory_space<hbm>>
    tpu.wait_indirect_dma semaphore(%arg21 : memref<!tpu.dma_semaphore, #tpu.memory_space<semaphore_mem>>) src(%dma_wait3A_16 : memref<2048x128xf32, #tpu.memory_space<hbm>>) dst(%arg18 : memref<32x128xf32, #tpu.memory_space<vmem>>)
    "tpu.region"() ({
      %run_scoped3A = tpu.sem_alloc : memref<!tpu.dma_semaphore, #tpu.memory_space<semaphore_mem>>
      %dma_start3A_38 = arith.constant 0 : i32
      %dma_start3A_39 = tpu.memref_slice %arg10[%mul3A_4, %dma_start3A_38] : memref<1024x128xf32, #tpu.memory_space<hbm>> -> memref<32x128xf32, #tpu.memory_space<hbm>>
      %dma_start3A_40 = arith.constant 0 : i32
      %dma_start3A_41 = tpu.memref_slice %arg10[%mul3A_4, %dma_start3A_40] : memref<1024x128xf32, #tpu.memory_space<hbm>> -> memref<32x128xf32, #tpu.memory_space<hbm>>
      tpu.enqueue_dma source(%arg18 : memref<32x128xf32, #tpu.memory_space<vmem>>) target(%dma_start3A_41 : memref<32x128xf32, #tpu.memory_space<hbm>>) target_semaphore(%run_scoped3A : memref<!tpu.dma_semaphore, #tpu.memory_space<semaphore_mem>>)
      %dma_wait3A_42 = arith.constant 0 : i32
      %dma_wait3A_43 = tpu.memref_slice %arg10[%mul3A_4, %dma_wait3A_42] : memref<1024x128xf32, #tpu.memory_space<hbm>> -> memref<32x128xf32, #tpu.memory_space<hbm>>
      %dma_wait3A_44 = arith.constant 0 : i32
      %dma_wait3A_45 = tpu.memref_slice %arg10[%mul3A_4, %dma_wait3A_44] : memref<1024x128xf32, #tpu.memory_space<hbm>> -> memref<32x128xf32, #tpu.memory_space<hbm>>
      tpu.wait_dma2 semaphore(%run_scoped3A : memref<!tpu.dma_semaphore, #tpu.memory_space<semaphore_mem>>) src(%arg18 : memref<32x128xf32, #tpu.memory_space<vmem>>) dst(%dma_wait3A_45 : memref<32x128xf32, #tpu.memory_space<hbm>>)
      tpu.yield
    }) : () -> ()
    "tpu.region"() ({
      %run_scoped3A = tpu.sem_alloc : memref<!tpu.dma_semaphore, #tpu.memory_space<semaphore_mem>>
      tpu.enqueue_dma source(%arg7 : memref<1024xf32, #tpu.memory_space<hbm>>) target(%arg19 : memref<1024xf32, #tpu.memory_space<vmem>>) target_semaphore(%run_scoped3A : memref<!tpu.dma_semaphore, #tpu.memory_space<semaphore_mem>>)
      tpu.wait_dma2 semaphore(%run_scoped3A : memref<!tpu.dma_semaphore, #tpu.memory_space<semaphore_mem>>) src(%arg7 : memref<1024xf32, #tpu.memory_space<hbm>>) dst(%arg19 : memref<1024xf32, #tpu.memory_space<vmem>>)
      tpu.yield
    }) : () -> ()
    "tpu.region"() ({
      %run_scoped3A = tpu.sem_alloc : memref<!tpu.dma_semaphore, #tpu.memory_space<semaphore_mem>>
      %dma_start3A_38 = tpu.memref_slice %arg4[%mul3A_2] : memref<2048xf32, #tpu.memory_space<hbm>> -> memref<64xf32, #tpu.memory_space<hbm>>
      %dma_start3A_39 = tpu.memref_slice %arg4[%mul3A_2] : memref<2048xf32, #tpu.memory_space<hbm>> -> memref<64xf32, #tpu.memory_space<hbm>>
      tpu.enqueue_dma source(%dma_start3A_39 : memref<64xf32, #tpu.memory_space<hbm>>) target(%arg14 : memref<64xf32, #tpu.memory_space<vmem>>) target_semaphore(%run_scoped3A : memref<!tpu.dma_semaphore, #tpu.memory_space<semaphore_mem>>)
      %dma_wait3A_40 = tpu.memref_slice %arg4[%mul3A_2] : memref<2048xf32, #tpu.memory_space<hbm>> -> memref<64xf32, #tpu.memory_space<hbm>>
      %dma_wait3A_41 = tpu.memref_slice %arg4[%mul3A_2] : memref<2048xf32, #tpu.memory_space<hbm>> -> memref<64xf32, #tpu.memory_space<hbm>>
      tpu.wait_dma2 semaphore(%run_scoped3A : memref<!tpu.dma_semaphore, #tpu.memory_space<semaphore_mem>>) src(%dma_wait3A_41 : memref<64xf32, #tpu.memory_space<hbm>>) dst(%arg14 : memref<64xf32, #tpu.memory_space<vmem>>)
      tpu.yield
    }) : () -> ()
    %get3A = arith.constant 0 : index
    %get3A_17 = tpu.vector_load %arg13[%get3A] {strides = array<i32>} : memref<64xi32, #tpu.memory_space<vmem>>, vector<16xi32>,
    %get3A_18 = arith.constant 0 : index
    %get3A_19 = tpu.vector_load %arg14[%get3A_18] {strides = array<i32>} : memref<64xf32, #tpu.memory_space<vmem>>, vector<16xf32>,
    tpu.vector_store_idx %arg19[%get3A_17], %get3A_19 {add = true} : memref<1024xf32, #tpu.memory_space<vmem>>[vector<16xi32>], vector<16xf32>,
    %get3A_20 = arith.constant 16 : index
    %get3A_21 = tpu.vector_load %arg13[%get3A_20] {strides = array<i32>} : memref<64xi32, #tpu.memory_space<vmem>>, vector<16xi32>,
    %get3A_22 = arith.constant 16 : index
    %get3A_23 = tpu.vector_load %arg14[%get3A_22] {strides = array<i32>} : memref<64xf32, #tpu.memory_space<vmem>>, vector<16xf32>,
    tpu.vector_store_idx %arg19[%get3A_21], %get3A_23 {add = true} : memref<1024xf32, #tpu.memory_space<vmem>>[vector<16xi32>], vector<16xf32>,
    %get3A_24 = arith.constant 32 : index
    %get3A_25 = tpu.vector_load %arg13[%get3A_24] {strides = array<i32>} : memref<64xi32, #tpu.memory_space<vmem>>, vector<16xi32>,
    %get3A_26 = arith.constant 32 : index
    %get3A_27 = tpu.vector_load %arg14[%get3A_26] {strides = array<i32>} : memref<64xf32, #tpu.memory_space<vmem>>, vector<16xf32>,
    tpu.vector_store_idx %arg19[%get3A_25], %get3A_27 {add = true} : memref<1024xf32, #tpu.memory_space<vmem>>[vector<16xi32>], vector<16xf32>,
    %get3A_28 = arith.constant 48 : index
    %get3A_29 = tpu.vector_load %arg13[%get3A_28] {strides = array<i32>} : memref<64xi32, #tpu.memory_space<vmem>>, vector<16xi32>,
    %get3A_30 = arith.constant 48 : index
    %get3A_31 = tpu.vector_load %arg14[%get3A_30] {strides = array<i32>} : memref<64xf32, #tpu.memory_space<vmem>>, vector<16xf32>,
    tpu.vector_store_idx %arg19[%get3A_29], %get3A_31 {add = true} : memref<1024xf32, #tpu.memory_space<vmem>>[vector<16xi32>], vector<16xf32>,
    "tpu.region"() ({
      %run_scoped3A = tpu.sem_alloc : memref<!tpu.dma_semaphore, #tpu.memory_space<semaphore_mem>>
      %dma_start3A_38 = arith.constant 0 : i32
      %dma_start3A_39 = tpu.memref_slice %arg11[%add3A, %dma_start3A_38] : memref<32x1024xf32, #tpu.memory_space<hbm>> -> memref<1x1024xf32, #tpu.memory_space<hbm>>
      %dma_start3A_40 = tpu.memref_squeeze %dma_start3A_39 : memref<1x1024xf32, #tpu.memory_space<hbm>> -> memref<1024xf32, #tpu.memory_space<hbm>>
      %dma_start3A_41 = arith.constant 0 : i32
      %dma_start3A_42 = tpu.memref_slice %arg11[%add3A, %dma_start3A_41] : memref<32x1024xf32, #tpu.memory_space<hbm>> -> memref<1x1024xf32, #tpu.memory_space<hbm>>
      %dma_start3A_43 = tpu.memref_squeeze %dma_start3A_42 : memref<1x1024xf32, #tpu.memory_space<hbm>> -> memref<1024xf32, #tpu.memory_space<hbm>>
      tpu.enqueue_dma source(%arg19 : memref<1024xf32, #tpu.memory_space<vmem>>) target(%dma_start3A_43 : memref<1024xf32, #tpu.memory_space<hbm>>) target_semaphore(%run_scoped3A : memref<!tpu.dma_semaphore, #tpu.memory_space<semaphore_mem>>)
      %dma_wait3A_44 = arith.constant 0 : i32
      %dma_wait3A_45 = tpu.memref_slice %arg11[%add3A, %dma_wait3A_44] : memref<32x1024xf32, #tpu.memory_space<hbm>> -> memref<1x1024xf32, #tpu.memory_space<hbm>>
      %dma_wait3A_46 = tpu.memref_squeeze %dma_wait3A_45 : memref<1x1024xf32, #tpu.memory_space<hbm>> -> memref<1024xf32, #tpu.memory_space<hbm>>
      %dma_wait3A_47 = arith.constant 0 : i32
      %dma_wait3A_48 = tpu.memref_slice %arg11[%add3A, %dma_wait3A_47] : memref<32x1024xf32, #tpu.memory_space<hbm>> -> memref<1x1024xf32, #tpu.memory_space<hbm>>
      %dma_wait3A_49 = tpu.memref_squeeze %dma_wait3A_48 : memref<1x1024xf32, #tpu.memory_space<hbm>> -> memref<1024xf32, #tpu.memory_space<hbm>>
      tpu.wait_dma2 semaphore(%run_scoped3A : memref<!tpu.dma_semaphore, #tpu.memory_space<semaphore_mem>>) src(%arg19 : memref<1024xf32, #tpu.memory_space<vmem>>) dst(%dma_wait3A_49 : memref<1024xf32, #tpu.memory_space<hbm>>)
      tpu.yield
    }) : () -> ()
    "tpu.region"() ({
      %run_scoped3A = tpu.sem_alloc : memref<!tpu.dma_semaphore, #tpu.memory_space<semaphore_mem>>
      %dma_start3A_38 = arith.constant 0 : i32
      %dma_start3A_39 = tpu.memref_slice %arg5[%mul3A_2, %dma_start3A_38] : memref<2048x128xf32, #tpu.memory_space<hbm>> -> memref<64x128xf32, #tpu.memory_space<hbm>>
      %dma_start3A_40 = arith.constant 0 : i32
      %dma_start3A_41 = tpu.memref_slice %arg5[%mul3A_2, %dma_start3A_40] : memref<2048x128xf32, #tpu.memory_space<hbm>> -> memref<64x128xf32, #tpu.memory_space<hbm>>
      tpu.enqueue_dma source(%dma_start3A_41 : memref<64x128xf32, #tpu.memory_space<hbm>>) target(%arg16 : memref<64x128xf32, #tpu.memory_space<vmem>>) target_semaphore(%run_scoped3A : memref<!tpu.dma_semaphore, #tpu.memory_space<semaphore_mem>>)
      %dma_wait3A_42 = arith.constant 0 : i32
      %dma_wait3A_43 = tpu.memref_slice %arg5[%mul3A_2, %dma_wait3A_42] : memref<2048x128xf32, #tpu.memory_space<hbm>> -> memref<64x128xf32, #tpu.memory_space<hbm>>
      %dma_wait3A_44 = arith.constant 0 : i32
      %dma_wait3A_45 = tpu.memref_slice %arg5[%mul3A_2, %dma_wait3A_44] : memref<2048x128xf32, #tpu.memory_space<hbm>> -> memref<64x128xf32, #tpu.memory_space<hbm>>
      tpu.wait_dma2 semaphore(%run_scoped3A : memref<!tpu.dma_semaphore, #tpu.memory_space<semaphore_mem>>) src(%dma_wait3A_45 : memref<64x128xf32, #tpu.memory_space<hbm>>) dst(%arg16 : memref<64x128xf32, #tpu.memory_space<vmem>>)
      tpu.yield
    }) : () -> ()
    %barrier3A = arith.constant 0 : index
    tpu.barrier barrier_id(%barrier3A)
    "tpu.region"() ({
      %run_scoped3A = tpu.sem_alloc : memref<!tpu.dma_semaphore, #tpu.memory_space<semaphore_mem>>
      %dma_start3A_38 = arith.constant 0 : i32
      %dma_start3A_39 = arith.constant 0 : i32
      %dma_start3A_40 = tpu.memref_slice %arg20[%dma_start3A_38, %dma_start3A_39] : memref<1024x128xf32, #tpu.memory_space<vmem_shared>> -> memref<1024x128xf32, #tpu.memory_space<vmem_shared>>
      tpu.enqueue_indirect_dma source(%arg16 : memref<64x128xf32, #tpu.memory_space<vmem>>) target(%dma_start3A_40 : memref<1024x128xf32, #tpu.memory_space<vmem_shared>>) offsets(%arg13 : memref<64xi32, #tpu.memory_space<vmem>>) semaphore(%run_scoped3A : memref<!tpu.dma_semaphore, #tpu.memory_space<semaphore_mem>>) {add = true}
      %dma_wait3A_41 = arith.constant 0 : i32
      %dma_wait3A_42 = arith.constant 0 : i32
      %dma_wait3A_43 = tpu.memref_slice %arg20[%dma_wait3A_41, %dma_wait3A_42] : memref<1024x128xf32, #tpu.memory_space<vmem_shared>> -> memref<1024x128xf32, #tpu.memory_space<vmem_shared>>
      tpu.wait_indirect_dma semaphore(%run_scoped3A : memref<!tpu.dma_semaphore, #tpu.memory_space<semaphore_mem>>) src(%arg16 : memref<64x128xf32, #tpu.memory_space<vmem>>) dst(%dma_wait3A_43 : memref<1024x128xf32, #tpu.memory_space<vmem_shared>>)
      tpu.yield
    }) : () -> ()
    %barrier3A_32 = arith.constant 0 : index
    tpu.barrier barrier_id(%barrier3A_32)
    %eq3A_33 = arith.constant 0 : i32
    %eq3A_34 = arith.cmpi eq, %arg1, %eq3A_33 : i32
    %convert_element_type3A_35 = arith.extui %eq3A_34 : i1 to i32
    %cond3A_36 = arith.constant 0 : i32
    %cond3A_37 = arith.cmpi ne, %convert_element_type3A_35, %cond3A_36 : i32
    scf.if %cond3A_37 {
      "tpu.region"() ({
        %run_scoped3A = tpu.sem_alloc : memref<!tpu.dma_semaphore, #tpu.memory_space<semaphore_mem>>
        %dma_start3A_38 = arith.constant 0 : i32
        %dma_start3A_39 = arith.constant 0 : i32
        %dma_start3A_40 = tpu.memref_slice %arg12[%arg0, %dma_start3A_38, %dma_start3A_39] : memref<2x1024x128xf32, #tpu.memory_space<hbm>> -> memref<1x1024x128xf32, #tpu.memory_space<hbm>>
        %dma_start3A_41 = tpu.memref_squeeze %dma_start3A_40 : memref<1x1024x128xf32, #tpu.memory_space<hbm>> -> memref<1024x128xf32, #tpu.memory_space<hbm>>
        tpu.enqueue_dma source(%arg20 : memref<1024x128xf32, #tpu.memory_space<vmem_shared>>) target(%dma_start3A_41 : memref<1024x128xf32, #tpu.memory_space<hbm>>) target_semaphore(%run_scoped3A : memref<!tpu.dma_semaphore, #tpu.memory_space<semaphore_mem>>)
        %dma_wait3A_42 = arith.constant 0 : i32
        %dma_wait3A_43 = arith.constant 0 : i32
        %dma_wait3A_44 = tpu.memref_slice %arg12[%arg0, %dma_wait3A_42, %dma_wait3A_43] : memref<2x1024x128xf32, #tpu.memory_space<hbm>> -> memref<1x1024x128xf32, #tpu.memory_space<hbm>>
        %dma_wait3A_45 = tpu.memref_squeeze %dma_wait3A_44 : memref<1x1024x128xf32, #tpu.memory_space<hbm>> -> memref<1024x128xf32, #tpu.memory_space<hbm>>
        tpu.wait_dma2 semaphore(%run_scoped3A : memref<!tpu.dma_semaphore, #tpu.memory_space<semaphore_mem>>) src(%arg20 : memref<1024x128xf32, #tpu.memory_space<vmem_shared>>) dst(%dma_wait3A_45 : memref<1024x128xf32, #tpu.memory_space<hbm>>)
        tpu.yield
      }) : () -> ()
    } else {
    }
    return
  }
}

module attributes {stable_mosaic.version = 14 : i64} {
  func.func @_vq_dist_kernel(%arg0: i32, %arg1: memref<256x32xf32, #tpu.memory_space<vmem>>, %arg2: memref<32x1024xf32, #tpu.memory_space<vmem>>, %arg3: memref<256x1xf32, #tpu.memory_space<vmem>>, %arg4: memref<1024x32xf32, #tpu.memory_space<vmem>>, %arg5: memref<256x1xi32, #tpu.memory_space<vmem>>, %arg6: memref<1x1024xi32, #tpu.memory_space<vmem>>, %arg7: memref<1x1xf32, #tpu.memory_space<vmem>>, %arg8: memref<1x1xf32, #tpu.memory_space<vmem>>, %arg9: memref<256x128xf32, #tpu.memory_space<vmem>>, %arg10: memref<1024x128xf32, #tpu.memory_space<vmem>>, %arg11: memref<1x1024xf32, #tpu.memory_space<vmem>>, %arg12: memref<1x1024xi32, #tpu.memory_space<vmem>>, %arg13: memref<1x1xf32, #tpu.memory_space<vmem>>, %arg14: memref<1x1xf32, #tpu.memory_space<vmem>>) attributes {dimension_semantics = [#tpu.dimension_semantics<arbitrary>], iteration_bounds = array<i64: 8>, scalar_prefetch = 0 : i64, scratch_operands = 4 : i64, tpu.core_type = #tpu.core_type<tc>, window_params = [{transform_indices = @transform_0, window_bounds = array<i64: 256, 32>}, {pipeline_mode = #tpu.pipeline_mode<synchronous>, transform_indices = @transform_1, window_bounds = array<i64: 32, 1024>}, {transform_indices = @transform_2, window_bounds = array<i64: 256, 1>}, {pipeline_mode = #tpu.pipeline_mode<synchronous>, transform_indices = @transform_3, window_bounds = array<i64: 1024, 32>}, {transform_indices = @transform_4, window_bounds = array<i64: 256, 1>}, {pipeline_mode = #tpu.pipeline_mode<synchronous>, transform_indices = @transform_5, window_bounds = array<i64: 1, 1024>}, {pipeline_mode = #tpu.pipeline_mode<synchronous>, transform_indices = @transform_6, window_bounds = array<i64: 1, 1>}, {pipeline_mode = #tpu.pipeline_mode<synchronous>, transform_indices = @transform_7, window_bounds = array<i64: 1, 1>}, {transform_indices = @transform_8, window_bounds = array<i64: 256, 128>}, {pipeline_mode = #tpu.pipeline_mode<synchronous>, transform_indices = @transform_9, window_bounds = array<i64: 1024, 128>}]} {
    %eq3A = arith.constant 0 : i32
    %eq3A_0 = arith.cmpi eq, %arg0, %eq3A : i32
    %convert_element_type3A = arith.extui %eq3A_0 : i1 to i32
    %cond3A = arith.constant 0 : i32
    %cond3A_1 = arith.cmpi ne, %convert_element_type3A, %cond3A : i32
    scf.if %cond3A_1 {
      %broadcast_in_dim3A_323 = arith.constant 0x7F800000 : f32
      %broadcast_in_dim3A_324 = vector.broadcast %broadcast_in_dim3A_323 : f32 to vector<1x1024xf32>
      %swap3A_325 = arith.constant 0 : index
      %swap3A_326 = arith.constant 0 : index
      %swap3A_327 = vector.load %arg11[%swap3A_325, %swap3A_326] : memref<1x1024xf32, #tpu.memory_space<vmem>>, vector<1x1024xf32>
      tpu.vector_store %arg11[%swap3A_325, %swap3A_326], %broadcast_in_dim3A_324 {strides = array<i32>} : memref<1x1024xf32, #tpu.memory_space<vmem>>, vector<1x1024xf32>,
      %broadcast_in_dim3A_328 = arith.constant 0 : i32
      %broadcast_in_dim3A_329 = vector.broadcast %broadcast_in_dim3A_328 : i32 to vector<1x1024xi32>
      %swap3A_330 = arith.constant 0 : index
      %swap3A_331 = arith.constant 0 : index
      %swap3A_332 = vector.load %arg12[%swap3A_330, %swap3A_331] : memref<1x1024xi32, #tpu.memory_space<vmem>>, vector<1x1024xi32>
      tpu.vector_store %arg12[%swap3A_330, %swap3A_331], %broadcast_in_dim3A_329 {strides = array<i32>} : memref<1x1024xi32, #tpu.memory_space<vmem>>, vector<1x1024xi32>,
      %broadcast_in_dim3A_333 = arith.constant 0.000000e+00 : f32
      %broadcast_in_dim3A_334 = vector.broadcast %broadcast_in_dim3A_333 : f32 to vector<1x1xf32>
      %swap3A_335 = arith.constant 0 : index
      %swap3A_336 = arith.constant 0 : index
      %swap3A_337 = vector.load %arg13[%swap3A_335, %swap3A_336] : memref<1x1xf32, #tpu.memory_space<vmem>>, vector<1x1xf32>
      tpu.vector_store %arg13[%swap3A_335, %swap3A_336], %broadcast_in_dim3A_334 {strides = array<i32>} : memref<1x1xf32, #tpu.memory_space<vmem>>, vector<1x1xf32>,
      %broadcast_in_dim3A_338 = arith.constant 0.000000e+00 : f32
      %broadcast_in_dim3A_339 = vector.broadcast %broadcast_in_dim3A_338 : f32 to vector<1x1xf32>
      %swap3A_340 = arith.constant 0 : index
      %swap3A_341 = arith.constant 0 : index
      %swap3A_342 = vector.load %arg14[%swap3A_340, %swap3A_341] : memref<1x1xf32, #tpu.memory_space<vmem>>, vector<1x1xf32>
      tpu.vector_store %arg14[%swap3A_340, %swap3A_341], %broadcast_in_dim3A_339 {strides = array<i32>} : memref<1x1xf32, #tpu.memory_space<vmem>>, vector<1x1xf32>,
      %get3A_343 = arith.constant 0 : index
      %get3A_344 = arith.constant 0 : index
      %get3A_345 = vector.load %arg4[%get3A_343, %get3A_344] : memref<1024x32xf32, #tpu.memory_space<vmem>>, vector<1024x32xf32>
      %broadcast_in_dim3A_346 = arith.constant 0.000000e+00 : f32
      %broadcast_in_dim3A_347 = vector.broadcast %broadcast_in_dim3A_346 : f32 to vector<1024x96xf32>
      %concatenate3A_348 = tpu.concatenate %get3A_345, %broadcast_in_dim3A_347 in 1 : vector<1024x32xf32>, vector<1024x96xf32> -> vector<1024x128xf32>
      %swap3A_349 = arith.constant 0 : index
      %swap3A_350 = arith.constant 0 : index
      %swap3A_351 = vector.load %arg10[%swap3A_349, %swap3A_350] : memref<1024x128xf32, #tpu.memory_space<vmem>>, vector<1024x128xf32>
      tpu.vector_store %arg10[%swap3A_349, %swap3A_350], %concatenate3A_348 {strides = array<i32>} : memref<1024x128xf32, #tpu.memory_space<vmem>>, vector<1024x128xf32>,
    } else {
    }
    %get3A = arith.constant 0 : index
    %get3A_2 = arith.constant 0 : index
    %get3A_3 = vector.load %arg1[%get3A, %get3A_2] : memref<256x32xf32, #tpu.memory_space<vmem>>, vector<256x32xf32>
    %get3A_4 = arith.constant 0 : index
    %get3A_5 = arith.constant 0 : index
    %get3A_6 = vector.load %arg2[%get3A_4, %get3A_5] : memref<32x1024xf32, #tpu.memory_space<vmem>>, vector<32x1024xf32>
    %get3A_7 = arith.constant 0 : index
    %get3A_8 = arith.constant 0 : index
    %get3A_9 = vector.load %arg3[%get3A_7, %get3A_8] : memref<256x1xf32, #tpu.memory_space<vmem>>, vector<256x1xf32>
    %broadcast_in_dim3A = arith.constant 0.000000e+00 : f32
    %broadcast_in_dim3A_10 = vector.broadcast %broadcast_in_dim3A : f32 to vector<256x95xf32>
    %concatenate3A = tpu.concatenate %get3A_3, %get3A_9, %broadcast_in_dim3A_10 in 1 : vector<256x32xf32>, vector<256x1xf32>, vector<256x95xf32> -> vector<256x128xf32>
    %swap3A = arith.constant 0 : index
    %swap3A_11 = arith.constant 0 : index
    %swap3A_12 = vector.load %arg9[%swap3A, %swap3A_11] : memref<256x128xf32, #tpu.memory_space<vmem>>, vector<256x128xf32>
    tpu.vector_store %arg9[%swap3A, %swap3A_11], %concatenate3A {strides = array<i32>} : memref<256x128xf32, #tpu.memory_space<vmem>>, vector<256x128xf32>,
    %broadcast_in_dim3A_13 = arith.constant 0.000000e+00 : f32
    %broadcast_in_dim3A_14 = vector.broadcast %broadcast_in_dim3A_13 : f32 to vector<256x1024xf32>
    %slice3A = vector.extract_strided_slice %get3A_3 {offsets = [0, 0], sizes = [256, 1], strides = [1, 1]} : vector<256x32xf32> to vector<256x1xf32>
    %slice3A_15 = vector.extract_strided_slice %get3A_6 {offsets = [0, 0], sizes = [1, 1024], strides = [1, 1]} : vector<32x1024xf32> to vector<1x1024xf32>
    %sub3A = vector.broadcast %slice3A : vector<256x1xf32> to vector<256x1024xf32>
    %sub3A_16 = vector.broadcast %slice3A_15 : vector<1x1024xf32> to vector<256x1024xf32>
    %sub3A_17 = arith.subf %sub3A, %sub3A_16 : vector<256x1024xf32>
    %mul3A = arith.mulf %sub3A_17, %sub3A_17 : vector<256x1024xf32>
    %add3A = arith.addf %broadcast_in_dim3A_14, %mul3A : vector<256x1024xf32>
    %slice3A_18 = vector.extract_strided_slice %get3A_3 {offsets = [0, 1], sizes = [256, 1], strides = [1, 1]} : vector<256x32xf32> to vector<256x1xf32>
    %slice3A_19 = vector.extract_strided_slice %get3A_6 {offsets = [1, 0], sizes = [1, 1024], strides = [1, 1]} : vector<32x1024xf32> to vector<1x1024xf32>
    %sub3A_20 = vector.broadcast %slice3A_18 : vector<256x1xf32> to vector<256x1024xf32>
    %sub3A_21 = vector.broadcast %slice3A_19 : vector<1x1024xf32> to vector<256x1024xf32>
    %sub3A_22 = arith.subf %sub3A_20, %sub3A_21 : vector<256x1024xf32>
    %mul3A_23 = arith.mulf %sub3A_22, %sub3A_22 : vector<256x1024xf32>
    %add3A_24 = arith.addf %add3A, %mul3A_23 : vector<256x1024xf32>
    %slice3A_25 = vector.extract_strided_slice %get3A_3 {offsets = [0, 2], sizes = [256, 1], strides = [1, 1]} : vector<256x32xf32> to vector<256x1xf32>
    %slice3A_26 = vector.extract_strided_slice %get3A_6 {offsets = [2, 0], sizes = [1, 1024], strides = [1, 1]} : vector<32x1024xf32> to vector<1x1024xf32>
    %sub3A_27 = vector.broadcast %slice3A_25 : vector<256x1xf32> to vector<256x1024xf32>
    %sub3A_28 = vector.broadcast %slice3A_26 : vector<1x1024xf32> to vector<256x1024xf32>
    %sub3A_29 = arith.subf %sub3A_27, %sub3A_28 : vector<256x1024xf32>
    %mul3A_30 = arith.mulf %sub3A_29, %sub3A_29 : vector<256x1024xf32>
    %add3A_31 = arith.addf %add3A_24, %mul3A_30 : vector<256x1024xf32>
    %slice3A_32 = vector.extract_strided_slice %get3A_3 {offsets = [0, 3], sizes = [256, 1], strides = [1, 1]} : vector<256x32xf32> to vector<256x1xf32>
    %slice3A_33 = vector.extract_strided_slice %get3A_6 {offsets = [3, 0], sizes = [1, 1024], strides = [1, 1]} : vector<32x1024xf32> to vector<1x1024xf32>
    %sub3A_34 = vector.broadcast %slice3A_32 : vector<256x1xf32> to vector<256x1024xf32>
    %sub3A_35 = vector.broadcast %slice3A_33 : vector<1x1024xf32> to vector<256x1024xf32>
    %sub3A_36 = arith.subf %sub3A_34, %sub3A_35 : vector<256x1024xf32>
    %mul3A_37 = arith.mulf %sub3A_36, %sub3A_36 : vector<256x1024xf32>
    %add3A_38 = arith.addf %add3A_31, %mul3A_37 : vector<256x1024xf32>
    %slice3A_39 = vector.extract_strided_slice %get3A_3 {offsets = [0, 4], sizes = [256, 1], strides = [1, 1]} : vector<256x32xf32> to vector<256x1xf32>
    %slice3A_40 = vector.extract_strided_slice %get3A_6 {offsets = [4, 0], sizes = [1, 1024], strides = [1, 1]} : vector<32x1024xf32> to vector<1x1024xf32>
    %sub3A_41 = vector.broadcast %slice3A_39 : vector<256x1xf32> to vector<256x1024xf32>
    %sub3A_42 = vector.broadcast %slice3A_40 : vector<1x1024xf32> to vector<256x1024xf32>
    %sub3A_43 = arith.subf %sub3A_41, %sub3A_42 : vector<256x1024xf32>
    %mul3A_44 = arith.mulf %sub3A_43, %sub3A_43 : vector<256x1024xf32>
    %add3A_45 = arith.addf %add3A_38, %mul3A_44 : vector<256x1024xf32>
    %slice3A_46 = vector.extract_strided_slice %get3A_3 {offsets = [0, 5], sizes = [256, 1], strides = [1, 1]} : vector<256x32xf32> to vector<256x1xf32>
    %slice3A_47 = vector.extract_strided_slice %get3A_6 {offsets = [5, 0], sizes = [1, 1024], strides = [1, 1]} : vector<32x1024xf32> to vector<1x1024xf32>
    %sub3A_48 = vector.broadcast %slice3A_46 : vector<256x1xf32> to vector<256x1024xf32>
    %sub3A_49 = vector.broadcast %slice3A_47 : vector<1x1024xf32> to vector<256x1024xf32>
    %sub3A_50 = arith.subf %sub3A_48, %sub3A_49 : vector<256x1024xf32>
    %mul3A_51 = arith.mulf %sub3A_50, %sub3A_50 : vector<256x1024xf32>
    %add3A_52 = arith.addf %add3A_45, %mul3A_51 : vector<256x1024xf32>
    %slice3A_53 = vector.extract_strided_slice %get3A_3 {offsets = [0, 6], sizes = [256, 1], strides = [1, 1]} : vector<256x32xf32> to vector<256x1xf32>
    %slice3A_54 = vector.extract_strided_slice %get3A_6 {offsets = [6, 0], sizes = [1, 1024], strides = [1, 1]} : vector<32x1024xf32> to vector<1x1024xf32>
    %sub3A_55 = vector.broadcast %slice3A_53 : vector<256x1xf32> to vector<256x1024xf32>
    %sub3A_56 = vector.broadcast %slice3A_54 : vector<1x1024xf32> to vector<256x1024xf32>
    %sub3A_57 = arith.subf %sub3A_55, %sub3A_56 : vector<256x1024xf32>
    %mul3A_58 = arith.mulf %sub3A_57, %sub3A_57 : vector<256x1024xf32>
    %add3A_59 = arith.addf %add3A_52, %mul3A_58 : vector<256x1024xf32>
    %slice3A_60 = vector.extract_strided_slice %get3A_3 {offsets = [0, 7], sizes = [256, 1], strides = [1, 1]} : vector<256x32xf32> to vector<256x1xf32>
    %slice3A_61 = vector.extract_strided_slice %get3A_6 {offsets = [7, 0], sizes = [1, 1024], strides = [1, 1]} : vector<32x1024xf32> to vector<1x1024xf32>
    %sub3A_62 = vector.broadcast %slice3A_60 : vector<256x1xf32> to vector<256x1024xf32>
    %sub3A_63 = vector.broadcast %slice3A_61 : vector<1x1024xf32> to vector<256x1024xf32>
    %sub3A_64 = arith.subf %sub3A_62, %sub3A_63 : vector<256x1024xf32>
    %mul3A_65 = arith.mulf %sub3A_64, %sub3A_64 : vector<256x1024xf32>
    %add3A_66 = arith.addf %add3A_59, %mul3A_65 : vector<256x1024xf32>
    %slice3A_67 = vector.extract_strided_slice %get3A_3 {offsets = [0, 8], sizes = [256, 1], strides = [1, 1]} : vector<256x32xf32> to vector<256x1xf32>
    %slice3A_68 = vector.extract_strided_slice %get3A_6 {offsets = [8, 0], sizes = [1, 1024], strides = [1, 1]} : vector<32x1024xf32> to vector<1x1024xf32>
    %sub3A_69 = vector.broadcast %slice3A_67 : vector<256x1xf32> to vector<256x1024xf32>
    %sub3A_70 = vector.broadcast %slice3A_68 : vector<1x1024xf32> to vector<256x1024xf32>
    %sub3A_71 = arith.subf %sub3A_69, %sub3A_70 : vector<256x1024xf32>
    %mul3A_72 = arith.mulf %sub3A_71, %sub3A_71 : vector<256x1024xf32>
    %add3A_73 = arith.addf %add3A_66, %mul3A_72 : vector<256x1024xf32>
    %slice3A_74 = vector.extract_strided_slice %get3A_3 {offsets = [0, 9], sizes = [256, 1], strides = [1, 1]} : vector<256x32xf32> to vector<256x1xf32>
    %slice3A_75 = vector.extract_strided_slice %get3A_6 {offsets = [9, 0], sizes = [1, 1024], strides = [1, 1]} : vector<32x1024xf32> to vector<1x1024xf32>
    %sub3A_76 = vector.broadcast %slice3A_74 : vector<256x1xf32> to vector<256x1024xf32>
    %sub3A_77 = vector.broadcast %slice3A_75 : vector<1x1024xf32> to vector<256x1024xf32>
    %sub3A_78 = arith.subf %sub3A_76, %sub3A_77 : vector<256x1024xf32>
    %mul3A_79 = arith.mulf %sub3A_78, %sub3A_78 : vector<256x1024xf32>
    %add3A_80 = arith.addf %add3A_73, %mul3A_79 : vector<256x1024xf32>
    %slice3A_81 = vector.extract_strided_slice %get3A_3 {offsets = [0, 10], sizes = [256, 1], strides = [1, 1]} : vector<256x32xf32> to vector<256x1xf32>
    %slice3A_82 = vector.extract_strided_slice %get3A_6 {offsets = [10, 0], sizes = [1, 1024], strides = [1, 1]} : vector<32x1024xf32> to vector<1x1024xf32>
    %sub3A_83 = vector.broadcast %slice3A_81 : vector<256x1xf32> to vector<256x1024xf32>
    %sub3A_84 = vector.broadcast %slice3A_82 : vector<1x1024xf32> to vector<256x1024xf32>
    %sub3A_85 = arith.subf %sub3A_83, %sub3A_84 : vector<256x1024xf32>
    %mul3A_86 = arith.mulf %sub3A_85, %sub3A_85 : vector<256x1024xf32>
    %add3A_87 = arith.addf %add3A_80, %mul3A_86 : vector<256x1024xf32>
    %slice3A_88 = vector.extract_strided_slice %get3A_3 {offsets = [0, 11], sizes = [256, 1], strides = [1, 1]} : vector<256x32xf32> to vector<256x1xf32>
    %slice3A_89 = vector.extract_strided_slice %get3A_6 {offsets = [11, 0], sizes = [1, 1024], strides = [1, 1]} : vector<32x1024xf32> to vector<1x1024xf32>
    %sub3A_90 = vector.broadcast %slice3A_88 : vector<256x1xf32> to vector<256x1024xf32>
    %sub3A_91 = vector.broadcast %slice3A_89 : vector<1x1024xf32> to vector<256x1024xf32>
    %sub3A_92 = arith.subf %sub3A_90, %sub3A_91 : vector<256x1024xf32>
    %mul3A_93 = arith.mulf %sub3A_92, %sub3A_92 : vector<256x1024xf32>
    %add3A_94 = arith.addf %add3A_87, %mul3A_93 : vector<256x1024xf32>
    %slice3A_95 = vector.extract_strided_slice %get3A_3 {offsets = [0, 12], sizes = [256, 1], strides = [1, 1]} : vector<256x32xf32> to vector<256x1xf32>
    %slice3A_96 = vector.extract_strided_slice %get3A_6 {offsets = [12, 0], sizes = [1, 1024], strides = [1, 1]} : vector<32x1024xf32> to vector<1x1024xf32>
    %sub3A_97 = vector.broadcast %slice3A_95 : vector<256x1xf32> to vector<256x1024xf32>
    %sub3A_98 = vector.broadcast %slice3A_96 : vector<1x1024xf32> to vector<256x1024xf32>
    %sub3A_99 = arith.subf %sub3A_97, %sub3A_98 : vector<256x1024xf32>
    %mul3A_100 = arith.mulf %sub3A_99, %sub3A_99 : vector<256x1024xf32>
    %add3A_101 = arith.addf %add3A_94, %mul3A_100 : vector<256x1024xf32>
    %slice3A_102 = vector.extract_strided_slice %get3A_3 {offsets = [0, 13], sizes = [256, 1], strides = [1, 1]} : vector<256x32xf32> to vector<256x1xf32>
    %slice3A_103 = vector.extract_strided_slice %get3A_6 {offsets = [13, 0], sizes = [1, 1024], strides = [1, 1]} : vector<32x1024xf32> to vector<1x1024xf32>
    %sub3A_104 = vector.broadcast %slice3A_102 : vector<256x1xf32> to vector<256x1024xf32>
    %sub3A_105 = vector.broadcast %slice3A_103 : vector<1x1024xf32> to vector<256x1024xf32>
    %sub3A_106 = arith.subf %sub3A_104, %sub3A_105 : vector<256x1024xf32>
    %mul3A_107 = arith.mulf %sub3A_106, %sub3A_106 : vector<256x1024xf32>
    %add3A_108 = arith.addf %add3A_101, %mul3A_107 : vector<256x1024xf32>
    %slice3A_109 = vector.extract_strided_slice %get3A_3 {offsets = [0, 14], sizes = [256, 1], strides = [1, 1]} : vector<256x32xf32> to vector<256x1xf32>
    %slice3A_110 = vector.extract_strided_slice %get3A_6 {offsets = [14, 0], sizes = [1, 1024], strides = [1, 1]} : vector<32x1024xf32> to vector<1x1024xf32>
    %sub3A_111 = vector.broadcast %slice3A_109 : vector<256x1xf32> to vector<256x1024xf32>
    %sub3A_112 = vector.broadcast %slice3A_110 : vector<1x1024xf32> to vector<256x1024xf32>
    %sub3A_113 = arith.subf %sub3A_111, %sub3A_112 : vector<256x1024xf32>
    %mul3A_114 = arith.mulf %sub3A_113, %sub3A_113 : vector<256x1024xf32>
    %add3A_115 = arith.addf %add3A_108, %mul3A_114 : vector<256x1024xf32>
    %slice3A_116 = vector.extract_strided_slice %get3A_3 {offsets = [0, 15], sizes = [256, 1], strides = [1, 1]} : vector<256x32xf32> to vector<256x1xf32>
    %slice3A_117 = vector.extract_strided_slice %get3A_6 {offsets = [15, 0], sizes = [1, 1024], strides = [1, 1]} : vector<32x1024xf32> to vector<1x1024xf32>
    %sub3A_118 = vector.broadcast %slice3A_116 : vector<256x1xf32> to vector<256x1024xf32>
    %sub3A_119 = vector.broadcast %slice3A_117 : vector<1x1024xf32> to vector<256x1024xf32>
    %sub3A_120 = arith.subf %sub3A_118, %sub3A_119 : vector<256x1024xf32>
    %mul3A_121 = arith.mulf %sub3A_120, %sub3A_120 : vector<256x1024xf32>
    %add3A_122 = arith.addf %add3A_115, %mul3A_121 : vector<256x1024xf32>
    %slice3A_123 = vector.extract_strided_slice %get3A_3 {offsets = [0, 16], sizes = [256, 1], strides = [1, 1]} : vector<256x32xf32> to vector<256x1xf32>
    %slice3A_124 = vector.extract_strided_slice %get3A_6 {offsets = [16, 0], sizes = [1, 1024], strides = [1, 1]} : vector<32x1024xf32> to vector<1x1024xf32>
    %sub3A_125 = vector.broadcast %slice3A_123 : vector<256x1xf32> to vector<256x1024xf32>
    %sub3A_126 = vector.broadcast %slice3A_124 : vector<1x1024xf32> to vector<256x1024xf32>
    %sub3A_127 = arith.subf %sub3A_125, %sub3A_126 : vector<256x1024xf32>
    %mul3A_128 = arith.mulf %sub3A_127, %sub3A_127 : vector<256x1024xf32>
    %add3A_129 = arith.addf %add3A_122, %mul3A_128 : vector<256x1024xf32>
    %slice3A_130 = vector.extract_strided_slice %get3A_3 {offsets = [0, 17], sizes = [256, 1], strides = [1, 1]} : vector<256x32xf32> to vector<256x1xf32>
    %slice3A_131 = vector.extract_strided_slice %get3A_6 {offsets = [17, 0], sizes = [1, 1024], strides = [1, 1]} : vector<32x1024xf32> to vector<1x1024xf32>
    %sub3A_132 = vector.broadcast %slice3A_130 : vector<256x1xf32> to vector<256x1024xf32>
    %sub3A_133 = vector.broadcast %slice3A_131 : vector<1x1024xf32> to vector<256x1024xf32>
    %sub3A_134 = arith.subf %sub3A_132, %sub3A_133 : vector<256x1024xf32>
    %mul3A_135 = arith.mulf %sub3A_134, %sub3A_134 : vector<256x1024xf32>
    %add3A_136 = arith.addf %add3A_129, %mul3A_135 : vector<256x1024xf32>
    %slice3A_137 = vector.extract_strided_slice %get3A_3 {offsets = [0, 18], sizes = [256, 1], strides = [1, 1]} : vector<256x32xf32> to vector<256x1xf32>
    %slice3A_138 = vector.extract_strided_slice %get3A_6 {offsets = [18, 0], sizes = [1, 1024], strides = [1, 1]} : vector<32x1024xf32> to vector<1x1024xf32>
    %sub3A_139 = vector.broadcast %slice3A_137 : vector<256x1xf32> to vector<256x1024xf32>
    %sub3A_140 = vector.broadcast %slice3A_138 : vector<1x1024xf32> to vector<256x1024xf32>
    %sub3A_141 = arith.subf %sub3A_139, %sub3A_140 : vector<256x1024xf32>
    %mul3A_142 = arith.mulf %sub3A_141, %sub3A_141 : vector<256x1024xf32>
    %add3A_143 = arith.addf %add3A_136, %mul3A_142 : vector<256x1024xf32>
    %slice3A_144 = vector.extract_strided_slice %get3A_3 {offsets = [0, 19], sizes = [256, 1], strides = [1, 1]} : vector<256x32xf32> to vector<256x1xf32>
    %slice3A_145 = vector.extract_strided_slice %get3A_6 {offsets = [19, 0], sizes = [1, 1024], strides = [1, 1]} : vector<32x1024xf32> to vector<1x1024xf32>
    %sub3A_146 = vector.broadcast %slice3A_144 : vector<256x1xf32> to vector<256x1024xf32>
    %sub3A_147 = vector.broadcast %slice3A_145 : vector<1x1024xf32> to vector<256x1024xf32>
    %sub3A_148 = arith.subf %sub3A_146, %sub3A_147 : vector<256x1024xf32>
    %mul3A_149 = arith.mulf %sub3A_148, %sub3A_148 : vector<256x1024xf32>
    %add3A_150 = arith.addf %add3A_143, %mul3A_149 : vector<256x1024xf32>
    %slice3A_151 = vector.extract_strided_slice %get3A_3 {offsets = [0, 20], sizes = [256, 1], strides = [1, 1]} : vector<256x32xf32> to vector<256x1xf32>
    %slice3A_152 = vector.extract_strided_slice %get3A_6 {offsets = [20, 0], sizes = [1, 1024], strides = [1, 1]} : vector<32x1024xf32> to vector<1x1024xf32>
    %sub3A_153 = vector.broadcast %slice3A_151 : vector<256x1xf32> to vector<256x1024xf32>
    %sub3A_154 = vector.broadcast %slice3A_152 : vector<1x1024xf32> to vector<256x1024xf32>
    %sub3A_155 = arith.subf %sub3A_153, %sub3A_154 : vector<256x1024xf32>
    %mul3A_156 = arith.mulf %sub3A_155, %sub3A_155 : vector<256x1024xf32>
    %add3A_157 = arith.addf %add3A_150, %mul3A_156 : vector<256x1024xf32>
    %slice3A_158 = vector.extract_strided_slice %get3A_3 {offsets = [0, 21], sizes = [256, 1], strides = [1, 1]} : vector<256x32xf32> to vector<256x1xf32>
    %slice3A_159 = vector.extract_strided_slice %get3A_6 {offsets = [21, 0], sizes = [1, 1024], strides = [1, 1]} : vector<32x1024xf32> to vector<1x1024xf32>
    %sub3A_160 = vector.broadcast %slice3A_158 : vector<256x1xf32> to vector<256x1024xf32>
    %sub3A_161 = vector.broadcast %slice3A_159 : vector<1x1024xf32> to vector<256x1024xf32>
    %sub3A_162 = arith.subf %sub3A_160, %sub3A_161 : vector<256x1024xf32>
    %mul3A_163 = arith.mulf %sub3A_162, %sub3A_162 : vector<256x1024xf32>
    %add3A_164 = arith.addf %add3A_157, %mul3A_163 : vector<256x1024xf32>
    %slice3A_165 = vector.extract_strided_slice %get3A_3 {offsets = [0, 22], sizes = [256, 1], strides = [1, 1]} : vector<256x32xf32> to vector<256x1xf32>
    %slice3A_166 = vector.extract_strided_slice %get3A_6 {offsets = [22, 0], sizes = [1, 1024], strides = [1, 1]} : vector<32x1024xf32> to vector<1x1024xf32>
    %sub3A_167 = vector.broadcast %slice3A_165 : vector<256x1xf32> to vector<256x1024xf32>
    %sub3A_168 = vector.broadcast %slice3A_166 : vector<1x1024xf32> to vector<256x1024xf32>
    %sub3A_169 = arith.subf %sub3A_167, %sub3A_168 : vector<256x1024xf32>
    %mul3A_170 = arith.mulf %sub3A_169, %sub3A_169 : vector<256x1024xf32>
    %add3A_171 = arith.addf %add3A_164, %mul3A_170 : vector<256x1024xf32>
    %slice3A_172 = vector.extract_strided_slice %get3A_3 {offsets = [0, 23], sizes = [256, 1], strides = [1, 1]} : vector<256x32xf32> to vector<256x1xf32>
    %slice3A_173 = vector.extract_strided_slice %get3A_6 {offsets = [23, 0], sizes = [1, 1024], strides = [1, 1]} : vector<32x1024xf32> to vector<1x1024xf32>
    %sub3A_174 = vector.broadcast %slice3A_172 : vector<256x1xf32> to vector<256x1024xf32>
    %sub3A_175 = vector.broadcast %slice3A_173 : vector<1x1024xf32> to vector<256x1024xf32>
    %sub3A_176 = arith.subf %sub3A_174, %sub3A_175 : vector<256x1024xf32>
    %mul3A_177 = arith.mulf %sub3A_176, %sub3A_176 : vector<256x1024xf32>
    %add3A_178 = arith.addf %add3A_171, %mul3A_177 : vector<256x1024xf32>
    %slice3A_179 = vector.extract_strided_slice %get3A_3 {offsets = [0, 24], sizes = [256, 1], strides = [1, 1]} : vector<256x32xf32> to vector<256x1xf32>
    %slice3A_180 = vector.extract_strided_slice %get3A_6 {offsets = [24, 0], sizes = [1, 1024], strides = [1, 1]} : vector<32x1024xf32> to vector<1x1024xf32>
    %sub3A_181 = vector.broadcast %slice3A_179 : vector<256x1xf32> to vector<256x1024xf32>
    %sub3A_182 = vector.broadcast %slice3A_180 : vector<1x1024xf32> to vector<256x1024xf32>
    %sub3A_183 = arith.subf %sub3A_181, %sub3A_182 : vector<256x1024xf32>
    %mul3A_184 = arith.mulf %sub3A_183, %sub3A_183 : vector<256x1024xf32>
    %add3A_185 = arith.addf %add3A_178, %mul3A_184 : vector<256x1024xf32>
    %slice3A_186 = vector.extract_strided_slice %get3A_3 {offsets = [0, 25], sizes = [256, 1], strides = [1, 1]} : vector<256x32xf32> to vector<256x1xf32>
    %slice3A_187 = vector.extract_strided_slice %get3A_6 {offsets = [25, 0], sizes = [1, 1024], strides = [1, 1]} : vector<32x1024xf32> to vector<1x1024xf32>
    %sub3A_188 = vector.broadcast %slice3A_186 : vector<256x1xf32> to vector<256x1024xf32>
    %sub3A_189 = vector.broadcast %slice3A_187 : vector<1x1024xf32> to vector<256x1024xf32>
    %sub3A_190 = arith.subf %sub3A_188, %sub3A_189 : vector<256x1024xf32>
    %mul3A_191 = arith.mulf %sub3A_190, %sub3A_190 : vector<256x1024xf32>
    %add3A_192 = arith.addf %add3A_185, %mul3A_191 : vector<256x1024xf32>
    %slice3A_193 = vector.extract_strided_slice %get3A_3 {offsets = [0, 26], sizes = [256, 1], strides = [1, 1]} : vector<256x32xf32> to vector<256x1xf32>
    %slice3A_194 = vector.extract_strided_slice %get3A_6 {offsets = [26, 0], sizes = [1, 1024], strides = [1, 1]} : vector<32x1024xf32> to vector<1x1024xf32>
    %sub3A_195 = vector.broadcast %slice3A_193 : vector<256x1xf32> to vector<256x1024xf32>
    %sub3A_196 = vector.broadcast %slice3A_194 : vector<1x1024xf32> to vector<256x1024xf32>
    %sub3A_197 = arith.subf %sub3A_195, %sub3A_196 : vector<256x1024xf32>
    %mul3A_198 = arith.mulf %sub3A_197, %sub3A_197 : vector<256x1024xf32>
    %add3A_199 = arith.addf %add3A_192, %mul3A_198 : vector<256x1024xf32>
    %slice3A_200 = vector.extract_strided_slice %get3A_3 {offsets = [0, 27], sizes = [256, 1], strides = [1, 1]} : vector<256x32xf32> to vector<256x1xf32>
    %slice3A_201 = vector.extract_strided_slice %get3A_6 {offsets = [27, 0], sizes = [1, 1024], strides = [1, 1]} : vector<32x1024xf32> to vector<1x1024xf32>
    %sub3A_202 = vector.broadcast %slice3A_200 : vector<256x1xf32> to vector<256x1024xf32>
    %sub3A_203 = vector.broadcast %slice3A_201 : vector<1x1024xf32> to vector<256x1024xf32>
    %sub3A_204 = arith.subf %sub3A_202, %sub3A_203 : vector<256x1024xf32>
    %mul3A_205 = arith.mulf %sub3A_204, %sub3A_204 : vector<256x1024xf32>
    %add3A_206 = arith.addf %add3A_199, %mul3A_205 : vector<256x1024xf32>
    %slice3A_207 = vector.extract_strided_slice %get3A_3 {offsets = [0, 28], sizes = [256, 1], strides = [1, 1]} : vector<256x32xf32> to vector<256x1xf32>
    %slice3A_208 = vector.extract_strided_slice %get3A_6 {offsets = [28, 0], sizes = [1, 1024], strides = [1, 1]} : vector<32x1024xf32> to vector<1x1024xf32>
    %sub3A_209 = vector.broadcast %slice3A_207 : vector<256x1xf32> to vector<256x1024xf32>
    %sub3A_210 = vector.broadcast %slice3A_208 : vector<1x1024xf32> to vector<256x1024xf32>
    %sub3A_211 = arith.subf %sub3A_209, %sub3A_210 : vector<256x1024xf32>
    %mul3A_212 = arith.mulf %sub3A_211, %sub3A_211 : vector<256x1024xf32>
    %add3A_213 = arith.addf %add3A_206, %mul3A_212 : vector<256x1024xf32>
    %slice3A_214 = vector.extract_strided_slice %get3A_3 {offsets = [0, 29], sizes = [256, 1], strides = [1, 1]} : vector<256x32xf32> to vector<256x1xf32>
    %slice3A_215 = vector.extract_strided_slice %get3A_6 {offsets = [29, 0], sizes = [1, 1024], strides = [1, 1]} : vector<32x1024xf32> to vector<1x1024xf32>
    %sub3A_216 = vector.broadcast %slice3A_214 : vector<256x1xf32> to vector<256x1024xf32>
    %sub3A_217 = vector.broadcast %slice3A_215 : vector<1x1024xf32> to vector<256x1024xf32>
    %sub3A_218 = arith.subf %sub3A_216, %sub3A_217 : vector<256x1024xf32>
    %mul3A_219 = arith.mulf %sub3A_218, %sub3A_218 : vector<256x1024xf32>
    %add3A_220 = arith.addf %add3A_213, %mul3A_219 : vector<256x1024xf32>
    %slice3A_221 = vector.extract_strided_slice %get3A_3 {offsets = [0, 30], sizes = [256, 1], strides = [1, 1]} : vector<256x32xf32> to vector<256x1xf32>
    %slice3A_222 = vector.extract_strided_slice %get3A_6 {offsets = [30, 0], sizes = [1, 1024], strides = [1, 1]} : vector<32x1024xf32> to vector<1x1024xf32>
    %sub3A_223 = vector.broadcast %slice3A_221 : vector<256x1xf32> to vector<256x1024xf32>
    %sub3A_224 = vector.broadcast %slice3A_222 : vector<1x1024xf32> to vector<256x1024xf32>
    %sub3A_225 = arith.subf %sub3A_223, %sub3A_224 : vector<256x1024xf32>
    %mul3A_226 = arith.mulf %sub3A_225, %sub3A_225 : vector<256x1024xf32>
    %add3A_227 = arith.addf %add3A_220, %mul3A_226 : vector<256x1024xf32>
    %slice3A_228 = vector.extract_strided_slice %get3A_3 {offsets = [0, 31], sizes = [256, 1], strides = [1, 1]} : vector<256x32xf32> to vector<256x1xf32>
    %slice3A_229 = vector.extract_strided_slice %get3A_6 {offsets = [31, 0], sizes = [1, 1024], strides = [1, 1]} : vector<32x1024xf32> to vector<1x1024xf32>
    %sub3A_230 = vector.broadcast %slice3A_228 : vector<256x1xf32> to vector<256x1024xf32>
    %sub3A_231 = vector.broadcast %slice3A_229 : vector<1x1024xf32> to vector<256x1024xf32>
    %sub3A_232 = arith.subf %sub3A_230, %sub3A_231 : vector<256x1024xf32>
    %mul3A_233 = arith.mulf %sub3A_232, %sub3A_232 : vector<256x1024xf32>
    %add3A_234 = arith.addf %add3A_227, %mul3A_233 : vector<256x1024xf32>
    %gt3A = arith.constant 0.000000e+00 : f32
    %gt3A_235 = vector.broadcast %gt3A : f32 to vector<256x1xf32>
    %gt3A_236 = arith.cmpf ogt, %get3A_9, %gt3A_235 : vector<256x1xf32>
    %jit3A = arith.constant 0x7F800000 : f32
    %broadcast_in_dim3A_237 = vector.shape_cast %gt3A_236 : vector<256x1xi1> to vector<256x1xi1>
    %broadcast_in_dim3A_238 = vector.broadcast %broadcast_in_dim3A_237 : vector<256x1xi1> to vector<256x1024xi1>
    %broadcast_in_dim3A_239 = vector.broadcast %jit3A : f32 to vector<256x1024xf32>
    %select_n3A = arith.select %broadcast_in_dim3A_238, %add3A_234, %broadcast_in_dim3A_239 : vector<256x1024xi1>, vector<256x1024xf32>
    %iota3A = tpu.iota {dimensions = array<i32: 1>} : vector<256x1024xi32>
    %iota3A_240 = tpu.iota {dimensions = array<i32: 0>} : vector<256x1024xi32>
    %reduce_min3A = arith.constant dense<0x7F800000> : vector<256xf32>
    %reduce_min3A_241 = vector.multi_reduction <minimumf>, %select_n3A, %reduce_min3A [1] : vector<256x1024xf32> to vector<256xf32>
    %broadcast_in_dim3A_242 = vector.shape_cast %reduce_min3A_241 : vector<256xf32> to vector<256x1xf32>
    %eq3A_243 = vector.broadcast %broadcast_in_dim3A_242 : vector<256x1xf32> to vector<256x1024xf32>
    %eq3A_244 = arith.cmpf oeq, %select_n3A, %eq3A_243 : vector<256x1024xf32>
    %jit3A_245 = arith.constant 1024 : i32
    %broadcast_in_dim3A_246 = vector.broadcast %jit3A_245 : i32 to vector<256x1024xi32>
    %select_n3A_247 = arith.select %eq3A_244, %iota3A, %broadcast_in_dim3A_246 : vector<256x1024xi1>, vector<256x1024xi32>
    %reduce_min3A_248 = arith.constant dense<2147483647> : vector<256xi32>
    %reduce_min3A_249 = vector.multi_reduction <minsi>, %select_n3A_247, %reduce_min3A_248 [1] : vector<256x1024xi32> to vector<256xi32>
    %broadcast_in_dim3A_250 = vector.shape_cast %reduce_min3A_249 : vector<256xi32> to vector<256x1xi32>
    %swap3A_251 = arith.constant 0 : index
    %swap3A_252 = arith.constant 0 : index
    %swap3A_253 = vector.load %arg5[%swap3A_251, %swap3A_252] : memref<256x1xi32, #tpu.memory_space<vmem>>, vector<256x1xi32>
    tpu.vector_store %arg5[%swap3A_251, %swap3A_252], %broadcast_in_dim3A_250 {strides = array<i32>} : memref<256x1xi32, #tpu.memory_space<vmem>>, vector<256x1xi32>,
    %reduce_min3A_254 = arith.constant dense<0x7F800000> : vector<1024xf32>
    %reduce_min3A_255 = vector.multi_reduction <minimumf>, %select_n3A, %reduce_min3A_254 [0] : vector<256x1024xf32> to vector<1024xf32>
    %broadcast_in_dim3A_256 = vector.shape_cast %reduce_min3A_255 : vector<1024xf32> to vector<1x1024xf32>
    %eq3A_257 = vector.broadcast %broadcast_in_dim3A_256 : vector<1x1024xf32> to vector<256x1024xf32>
    %eq3A_258 = arith.cmpf oeq, %select_n3A, %eq3A_257 : vector<256x1024xf32>
    %mul3A_259 = arith.constant 256 : i32
    %mul3A_260 = arith.muli %arg0, %mul3A_259 : i32
    %add3A_261 = vector.broadcast %mul3A_260 : i32 to vector<256x1024xi32>
    %add3A_262 = arith.addi %iota3A_240, %add3A_261 : vector<256x1024xi32>
    %jit3A_263 = arith.constant 2048 : i32
    %broadcast_in_dim3A_264 = vector.broadcast %jit3A_263 : i32 to vector<256x1024xi32>
    %select_n3A_265 = arith.select %eq3A_258, %add3A_262, %broadcast_in_dim3A_264 : vector<256x1024xi1>, vector<256x1024xi32>
    %reduce_min3A_266 = arith.constant dense<2147483647> : vector<1024xi32>
    %reduce_min3A_267 = vector.multi_reduction <minsi>, %select_n3A_265, %reduce_min3A_266 [0] : vector<256x1024xi32> to vector<1024xi32>
    %broadcast_in_dim3A_268 = vector.shape_cast %reduce_min3A_267 : vector<1024xi32> to vector<1x1024xi32>
    %get3A_269 = arith.constant 0 : index
    %get3A_270 = arith.constant 0 : index
    %get3A_271 = vector.load %arg11[%get3A_269, %get3A_270] : memref<1x1024xf32, #tpu.memory_space<vmem>>, vector<1x1024xf32>
    %lt3A = arith.cmpf olt, %broadcast_in_dim3A_256, %get3A_271 : vector<1x1024xf32>
    %get3A_272 = arith.constant 0 : index
    %get3A_273 = arith.constant 0 : index
    %get3A_274 = vector.load %arg12[%get3A_272, %get3A_273] : memref<1x1024xi32, #tpu.memory_space<vmem>>, vector<1x1024xi32>
    %select_n3A_275 = arith.select %lt3A, %broadcast_in_dim3A_268, %get3A_274 : vector<1x1024xi1>, vector<1x1024xi32>
    %swap3A_276 = arith.constant 0 : index
    %swap3A_277 = arith.constant 0 : index
    %swap3A_278 = vector.load %arg12[%swap3A_276, %swap3A_277] : memref<1x1024xi32, #tpu.memory_space<vmem>>, vector<1x1024xi32>
    tpu.vector_store %arg12[%swap3A_276, %swap3A_277], %select_n3A_275 {strides = array<i32>} : memref<1x1024xi32, #tpu.memory_space<vmem>>, vector<1x1024xi32>,
    %get3A_279 = arith.constant 0 : index
    %get3A_280 = arith.constant 0 : index
    %get3A_281 = vector.load %arg11[%get3A_279, %get3A_280] : memref<1x1024xf32, #tpu.memory_space<vmem>>, vector<1x1024xf32>
    %min3A = arith.minimumf %broadcast_in_dim3A_256, %get3A_281 : vector<1x1024xf32>
    %swap3A_282 = arith.constant 0 : index
    %swap3A_283 = arith.constant 0 : index
    %swap3A_284 = vector.load %arg11[%swap3A_282, %swap3A_283] : memref<1x1024xf32, #tpu.memory_space<vmem>>, vector<1x1024xf32>
    tpu.vector_store %arg11[%swap3A_282, %swap3A_283], %min3A {strides = array<i32>} : memref<1x1024xf32, #tpu.memory_space<vmem>>, vector<1x1024xf32>,
    %get3A_285 = arith.constant 0 : index
    %get3A_286 = arith.constant 0 : index
    %get3A_287 = vector.load %arg13[%get3A_285, %get3A_286] : memref<1x1xf32, #tpu.memory_space<vmem>>, vector<1x1xf32>
    %gt3A_288 = arith.constant 0.000000e+00 : f32
    %gt3A_289 = vector.broadcast %gt3A_288 : f32 to vector<256x1xf32>
    %gt3A_290 = arith.cmpf ogt, %get3A_9, %gt3A_289 : vector<256x1xf32>
    %jit3A_291 = arith.constant 0.000000e+00 : f32
    %broadcast_in_dim3A_292 = vector.broadcast %jit3A_291 : f32 to vector<256x1xf32>
    %select_n3A_293 = arith.select %gt3A_290, %broadcast_in_dim3A_242, %broadcast_in_dim3A_292 : vector<256x1xi1>, vector<256x1xf32>
    %div3A = arith.constant 3.200000e+01 : f32
    %div3A_294 = vector.broadcast %div3A : f32 to vector<256x1xf32>
    %div3A_295 = arith.divf %select_n3A_293, %div3A_294 : vector<256x1xf32>
    %reduce_sum3A = vector.shape_cast %div3A_295 : vector<256x1xf32> to vector<1x256x1xf32>
    %reduce_sum3A_296 = arith.constant dense<0.000000e+00> : vector<1xf32>
    %reduce_sum3A_297 = vector.multi_reduction <add>, %reduce_sum3A, %reduce_sum3A_296 [1, 2] : vector<1x256x1xf32> to vector<1xf32>
    %reduce_sum3A_298 = vector.shape_cast %reduce_sum3A_297 : vector<1xf32> to vector<1x1x1xf32>
    %reduce_sum3A_299 = vector.extract %reduce_sum3A_298[0, 0, 0] : f32 from vector<1x1x1xf32>
    %broadcast_in_dim3A_300 = vector.broadcast %reduce_sum3A_299 : f32 to vector<1x1xf32>
    %add3A_301 = arith.addf %get3A_287, %broadcast_in_dim3A_300 : vector<1x1xf32>
    %swap3A_302 = arith.constant 0 : index
    %swap3A_303 = arith.constant 0 : index
    %swap3A_304 = vector.load %arg13[%swap3A_302, %swap3A_303] : memref<1x1xf32, #tpu.memory_space<vmem>>, vector<1x1xf32>
    tpu.vector_store %arg13[%swap3A_302, %swap3A_303], %add3A_301 {strides = array<i32>} : memref<1x1xf32, #tpu.memory_space<vmem>>, vector<1x1xf32>,
    %get3A_305 = arith.constant 0 : index
    %get3A_306 = arith.constant 0 : index
    %get3A_307 = vector.load %arg14[%get3A_305, %get3A_306] : memref<1x1xf32, #tpu.memory_space<vmem>>, vector<1x1xf32>
    %reduce_sum3A_308 = vector.shape_cast %get3A_9 : vector<256x1xf32> to vector<1x256x1xf32>
    %reduce_sum3A_309 = arith.constant dense<0.000000e+00> : vector<1xf32>
    %reduce_sum3A_310 = vector.multi_reduction <add>, %reduce_sum3A_308, %reduce_sum3A_309 [1, 2] : vector<1x256x1xf32> to vector<1xf32>
    %reduce_sum3A_311 = vector.shape_cast %reduce_sum3A_310 : vector<1xf32> to vector<1x1x1xf32>
    %reduce_sum3A_312 = vector.extract %reduce_sum3A_311[0, 0, 0] : f32 from vector<1x1x1xf32>
    %broadcast_in_dim3A_313 = vector.broadcast %reduce_sum3A_312 : f32 to vector<1x1xf32>
    %add3A_314 = arith.addf %get3A_307, %broadcast_in_dim3A_313 : vector<1x1xf32>
    %swap3A_315 = arith.constant 0 : index
    %swap3A_316 = arith.constant 0 : index
    %swap3A_317 = vector.load %arg14[%swap3A_315, %swap3A_316] : memref<1x1xf32, #tpu.memory_space<vmem>>, vector<1x1xf32>
    tpu.vector_store %arg14[%swap3A_315, %swap3A_316], %add3A_314 {strides = array<i32>} : memref<1x1xf32, #tpu.memory_space<vmem>>, vector<1x1xf32>,
    %eq3A_318 = arith.constant 7 : i32
    %eq3A_319 = arith.cmpi eq, %arg0, %eq3A_318 : i32
    %convert_element_type3A_320 = arith.extui %eq3A_319 : i1 to i32
    %cond3A_321 = arith.constant 0 : i32
    %cond3A_322 = arith.cmpi ne, %convert_element_type3A_320, %cond3A_321 : i32
    scf.if %cond3A_322 {
      %get3A_323 = arith.constant 0 : index
      %get3A_324 = arith.constant 0 : index
      %get3A_325 = vector.load %arg12[%get3A_323, %get3A_324] : memref<1x1024xi32, #tpu.memory_space<vmem>>, vector<1x1024xi32>
      %swap3A_326 = arith.constant 0 : index
      %swap3A_327 = arith.constant 0 : index
      %swap3A_328 = vector.load %arg6[%swap3A_326, %swap3A_327] : memref<1x1024xi32, #tpu.memory_space<vmem>>, vector<1x1024xi32>
      tpu.vector_store %arg6[%swap3A_326, %swap3A_327], %get3A_325 {strides = array<i32>} : memref<1x1024xi32, #tpu.memory_space<vmem>>, vector<1x1024xi32>,
      %get3A_329 = arith.constant 0 : index
      %get3A_330 = arith.constant 0 : index
      %get3A_331 = vector.load %arg14[%get3A_329, %get3A_330] : memref<1x1xf32, #tpu.memory_space<vmem>>, vector<1x1xf32>
      %max3A = arith.constant 1.000000e+00 : f32
      %max3A_332 = vector.broadcast %max3A : f32 to vector<1x1xf32>
      %max3A_333 = arith.maximumf %get3A_331, %max3A_332 : vector<1x1xf32>
      %get3A_334 = arith.constant 0 : index
      %get3A_335 = arith.constant 0 : index
      %get3A_336 = vector.load %arg13[%get3A_334, %get3A_335] : memref<1x1xf32, #tpu.memory_space<vmem>>, vector<1x1xf32>
      %div3A_337 = arith.divf %get3A_336, %max3A_333 : vector<1x1xf32>
      %swap3A_338 = arith.constant 0 : index
      %swap3A_339 = arith.constant 0 : index
      %swap3A_340 = vector.load %arg7[%swap3A_338, %swap3A_339] : memref<1x1xf32, #tpu.memory_space<vmem>>, vector<1x1xf32>
      tpu.vector_store %arg7[%swap3A_338, %swap3A_339], %div3A_337 {strides = array<i32>} : memref<1x1xf32, #tpu.memory_space<vmem>>, vector<1x1xf32>,
      %swap3A_341 = arith.constant 0 : index
      %swap3A_342 = arith.constant 0 : index
      %swap3A_343 = vector.load %arg8[%swap3A_341, %swap3A_342] : memref<1x1xf32, #tpu.memory_space<vmem>>, vector<1x1xf32>
      tpu.vector_store %arg8[%swap3A_341, %swap3A_342], %max3A_333 {strides = array<i32>} : memref<1x1xf32, #tpu.memory_space<vmem>>, vector<1x1xf32>,
    } else {
    }
    return
  }
  func.func @transform_0(%arg0: i32) -> (i32, i32) {
    %c0_i32 = arith.constant 0 : i32
    %c0_i32_0 = arith.constant 0 : i32
    return %arg0, %c0_i32 : i32, i32
  }
  func.func @transform_1(%arg0: i32) -> (i32, i32) {
    %c0_i32 = arith.constant 0 : i32
    %c0_i32_0 = arith.constant 0 : i32
    %c0_i32_1 = arith.constant 0 : i32
    return %c0_i32, %c0_i32_0 : i32, i32
  }
  func.func @transform_2(%arg0: i32) -> (i32, i32) {
    %c0_i32 = arith.constant 0 : i32
    %c0_i32_0 = arith.constant 0 : i32
    return %arg0, %c0_i32 : i32, i32
  }
  func.func @transform_3(%arg0: i32) -> (i32, i32) {
    %c0_i32 = arith.constant 0 : i32
    %c0_i32_0 = arith.constant 0 : i32
    %c0_i32_1 = arith.constant 0 : i32
    return %c0_i32, %c0_i32_0 : i32, i32
  }
  func.func @transform_4(%arg0: i32) -> (i32, i32) {
    %c0_i32 = arith.constant 0 : i32
    %c0_i32_0 = arith.constant 0 : i32
    return %arg0, %c0_i32 : i32, i32
  }
  func.func @transform_5(%arg0: i32) -> (i32, i32) {
    %c0_i32 = arith.constant 0 : i32
    %c0_i32_0 = arith.constant 0 : i32
    %c0_i32_1 = arith.constant 0 : i32
    return %c0_i32, %c0_i32_0 : i32, i32
  }
  func.func @transform_6(%arg0: i32) -> (i32, i32) {
    %c0_i32 = arith.constant 0 : i32
    %c0_i32_0 = arith.constant 0 : i32
    %c0_i32_1 = arith.constant 0 : i32
    return %c0_i32, %c0_i32_0 : i32, i32
  }
  func.func @transform_7(%arg0: i32) -> (i32, i32) {
    %c0_i32 = arith.constant 0 : i32
    %c0_i32_0 = arith.constant 0 : i32
    %c0_i32_1 = arith.constant 0 : i32
    return %c0_i32, %c0_i32_0 : i32, i32
  }
  func.func @transform_8(%arg0: i32) -> (i32, i32) {
    %c0_i32 = arith.constant 0 : i32
    %c0_i32_0 = arith.constant 0 : i32
    return %arg0, %c0_i32 : i32, i32
  }
  func.func @transform_9(%arg0: i32) -> (i32, i32) {
    %c0_i32 = arith.constant 0 : i32
    %c0_i32_0 = arith.constant 0 : i32
    %c0_i32_1 = arith.constant 0 : i32
    return %c0_i32, %c0_i32_0 : i32, i32
  }
}

module attributes {stable_mosaic.version = 14 : i64} {
  func.func @_vq_upd_kernel(%arg0: memref<32x1024xf32, #tpu.memory_space<vmem>>, %arg1: memref<2x1024x128xf32, #tpu.memory_space<vmem>>, %arg2: memref<1024x32xf32, #tpu.memory_space<vmem>>, %arg3: memref<1024x1xf32, #tpu.memory_space<vmem>>, %arg4: memref<1024x1xf32, #tpu.memory_space<vmem>>, %arg5: memref<1024x128xf32, #tpu.memory_space<vmem>>, %arg6: memref<1x1xf32, #tpu.memory_space<vmem>>, %arg7: memref<1x1xf32, #tpu.memory_space<vmem>>, %arg8: memref<1024x1xf32, #tpu.memory_space<vmem>>, %arg9: memref<1024x1xf32, #tpu.memory_space<vmem>>, %arg10: memref<1024x32xf32, #tpu.memory_space<vmem>>) attributes {dimension_semantics = [], scalar_prefetch = 0 : i64, scratch_operands = 0 : i64, tpu.core_type = #tpu.core_type<tc>} {
    %get3A = arith.constant 0 : index
    %get3A_0 = arith.constant 0 : index
    %get3A_1 = vector.load %arg0[%get3A, %get3A_0] : memref<32x1024xf32, #tpu.memory_space<vmem>>, vector<32x1024xf32>
    %broadcast_in_dim3A = arith.constant 1.000000e+00 : f32
    %broadcast_in_dim3A_2 = vector.broadcast %broadcast_in_dim3A : f32 to vector<32x1xf32>
    %dot_general3A = arith.constant dense<0.000000e+00> : vector<1024x1xf32>
    %dot_general3A_3 = tpu.matmul %get3A_1, %broadcast_in_dim3A_2, %dot_general3A {dimension_numbers = #tpu.dot_dimension_numbers<[0], [0], [1], [1], [0, 1, 1, 1], [], []>, transpose_lhs_hint = false} : vector<32x1024xf32>, vector<32x1xf32>, vector<1024x1xf32> -> vector<1024x1xf32>
    %get3A_4 = arith.constant 0 : index
    %get3A_5 = arith.constant 0 : index
    %get3A_6 = arith.constant 0 : index
    %get3A_7 = vector.load %arg1[%get3A_4, %get3A_5, %get3A_6] : memref<2x1024x128xf32, #tpu.memory_space<vmem>>, vector<2x1024x128xf32>
    %reduce_sum3A = arith.constant dense<0.000000e+00> : vector<1024x128xf32>
    %reduce_sum3A_8 = vector.multi_reduction <add>, %get3A_7, %reduce_sum3A [0] : vector<2x1024x128xf32> to vector<1024x128xf32>
    %slice3A = vector.extract_strided_slice %reduce_sum3A_8 {offsets = [0, 0], sizes = [1024, 32], strides = [1, 1]} : vector<1024x128xf32> to vector<1024x32xf32>
    %get3A_9 = arith.constant 0 : index
    %get3A_10 = arith.constant 0 : index
    %get3A_11 = vector.load %arg2[%get3A_9, %get3A_10] : memref<1024x32xf32, #tpu.memory_space<vmem>>, vector<1024x32xf32>
    %get3A_12 = arith.constant 0 : index
    %get3A_13 = arith.constant 0 : index
    %get3A_14 = vector.load %arg6[%get3A_12, %get3A_13] : memref<1x1xf32, #tpu.memory_space<vmem>>, vector<1x1xf32>
    %get3A_15 = vector.extract %get3A_14[0, 0] : f32 from vector<1x1xf32>
    %mul3A = arith.constant 0.00999999977 : f32
    %mul3A_16 = vector.broadcast %mul3A : f32 to vector<1024x1xf32>
    %mul3A_17 = arith.mulf %mul3A_16, %dot_general3A_3 : vector<1024x1xf32>
    %get3A_18 = arith.constant 0 : index
    %get3A_19 = arith.constant 0 : index
    %get3A_20 = vector.load %arg3[%get3A_18, %get3A_19] : memref<1024x1xf32, #tpu.memory_space<vmem>>, vector<1024x1xf32>
    %mul3A_21 = arith.constant 9.900000e-01 : f32
    %mul3A_22 = vector.broadcast %mul3A_21 : f32 to vector<1024x1xf32>
    %mul3A_23 = arith.mulf %mul3A_22, %get3A_20 : vector<1024x1xf32>
    %add3A = arith.addf %mul3A_17, %mul3A_23 : vector<1024x1xf32>
    %mul3A_24 = arith.constant 0.00999999977 : f32
    %mul3A_25 = vector.broadcast %mul3A_24 : f32 to vector<1024x1xf32>
    %mul3A_26 = arith.mulf %mul3A_25, %dot_general3A_3 : vector<1024x1xf32>
    %div3A = vector.broadcast %get3A_15 : f32 to vector<1024x1xf32>
    %div3A_27 = arith.divf %mul3A_26, %div3A : vector<1024x1xf32>
    %get3A_28 = arith.constant 0 : index
    %get3A_29 = arith.constant 0 : index
    %get3A_30 = vector.load %arg4[%get3A_28, %get3A_29] : memref<1024x1xf32, #tpu.memory_space<vmem>>, vector<1024x1xf32>
    %mul3A_31 = arith.constant 9.900000e-01 : f32
    %mul3A_32 = vector.broadcast %mul3A_31 : f32 to vector<1024x1xf32>
    %mul3A_33 = arith.mulf %mul3A_32, %get3A_30 : vector<1024x1xf32>
    %add3A_34 = arith.addf %div3A_27, %mul3A_33 : vector<1024x1xf32>
    %neg3A = arith.constant 0.000000e+00 : f32
    %neg3A_35 = vector.broadcast %neg3A : f32 to vector<1024x1xf32>
    %neg3A_36 = arith.subf %neg3A_35, %add3A_34 : vector<1024x1xf32>
    %mul3A_37 = arith.constant 1.024000e+03 : f32
    %mul3A_38 = vector.broadcast %mul3A_37 : f32 to vector<1024x1xf32>
    %mul3A_39 = arith.mulf %neg3A_36, %mul3A_38 : vector<1024x1xf32>
    %mul3A_40 = arith.constant 1.000000e+01 : f32
    %mul3A_41 = vector.broadcast %mul3A_40 : f32 to vector<1024x1xf32>
    %mul3A_42 = arith.mulf %mul3A_39, %mul3A_41 : vector<1024x1xf32>
    %div3A_43 = arith.constant 0.00999999977 : f32
    %div3A_44 = vector.broadcast %div3A_43 : f32 to vector<1024x1xf32>
    %div3A_45 = arith.divf %mul3A_42, %div3A_44 : vector<1024x1xf32>
    %sub3A = arith.constant 1.000000e-03 : f32
    %sub3A_46 = vector.broadcast %sub3A : f32 to vector<1024x1xf32>
    %sub3A_47 = arith.subf %div3A_45, %sub3A_46 : vector<1024x1xf32>
    %exp3A = math.exp %sub3A_47 : vector<1024x1xf32>
    %mul3A_48 = arith.constant 9.900000e-01 : f32
    %mul3A_49 = vector.broadcast %mul3A_48 : f32 to vector<1024x32xf32>
    %mul3A_50 = arith.mulf %mul3A_49, %get3A_11 : vector<1024x32xf32>
    %mul3A_51 = arith.constant 0.00999999977 : f32
    %mul3A_52 = vector.broadcast %mul3A_51 : f32 to vector<1024x32xf32>
    %mul3A_53 = arith.mulf %mul3A_52, %slice3A : vector<1024x32xf32>
    %add3A_54 = arith.addf %mul3A_50, %mul3A_53 : vector<1024x32xf32>
    %max3A = arith.constant 1.000000e+00 : f32
    %max3A_55 = vector.broadcast %max3A : f32 to vector<1024x1xf32>
    %max3A_56 = arith.maximumf %add3A, %max3A_55 : vector<1024x1xf32>
    %div3A_57 = vector.broadcast %max3A_56 : vector<1024x1xf32> to vector<1024x32xf32>
    %div3A_58 = arith.divf %add3A_54, %div3A_57 : vector<1024x32xf32>
    %sub3A_59 = arith.constant 1.000000e+00 : f32
    %sub3A_60 = vector.broadcast %sub3A_59 : f32 to vector<1024x1xf32>
    %sub3A_61 = arith.subf %sub3A_60, %exp3A : vector<1024x1xf32>
    %mul3A_62 = vector.broadcast %sub3A_61 : vector<1024x1xf32> to vector<1024x32xf32>
    %mul3A_63 = arith.mulf %mul3A_62, %get3A_11 : vector<1024x32xf32>
    %get3A_64 = arith.constant 0 : index
    %get3A_65 = arith.constant 0 : index
    %get3A_66 = vector.load %arg5[%get3A_64, %get3A_65] : memref<1024x128xf32, #tpu.memory_space<vmem>>, vector<1024x32xf32>
    %mul3A_67 = vector.broadcast %exp3A : vector<1024x1xf32> to vector<1024x32xf32>
    %mul3A_68 = arith.mulf %mul3A_67, %get3A_66 : vector<1024x32xf32>
    %add3A_69 = arith.addf %mul3A_63, %mul3A_68 : vector<1024x32xf32>
    %lt3A = arith.constant 1.000000e+00 : f32
    %lt3A_70 = vector.broadcast %lt3A : f32 to vector<1024x1xf32>
    %lt3A_71 = arith.cmpf olt, %dot_general3A_3, %lt3A_70 : vector<1024x1xf32>
    %broadcast_in_dim3A_72 = vector.shape_cast %lt3A_71 : vector<1024x1xi1> to vector<1024x1xi1>
    %broadcast_in_dim3A_73 = vector.broadcast %broadcast_in_dim3A_72 : vector<1024x1xi1> to vector<1024x32xi1>
    %select_n3A = arith.select %broadcast_in_dim3A_73, %div3A_58, %add3A_69 : vector<1024x32xi1>, vector<1024x32xf32>
    %sub3A_74 = arith.subf %get3A_11, %select_n3A : vector<1024x32xf32>
    %add3A_75 = arith.addf %get3A_11, %sub3A_74 : vector<1024x32xf32>
    %swap3A = arith.constant 0 : index
    %swap3A_76 = arith.constant 0 : index
    %swap3A_77 = vector.load %arg10[%swap3A, %swap3A_76] : memref<1024x32xf32, #tpu.memory_space<vmem>>, vector<1024x32xf32>
    tpu.vector_store %arg10[%swap3A, %swap3A_76], %add3A_75 {strides = array<i32>} : memref<1024x32xf32, #tpu.memory_space<vmem>>, vector<1024x32xf32>,
    %swap3A_78 = arith.constant 0 : index
    %swap3A_79 = arith.constant 0 : index
    %swap3A_80 = vector.load %arg8[%swap3A_78, %swap3A_79] : memref<1024x1xf32, #tpu.memory_space<vmem>>, vector<1024x1xf32>
    tpu.vector_store %arg8[%swap3A_78, %swap3A_79], %add3A {strides = array<i32>} : memref<1024x1xf32, #tpu.memory_space<vmem>>, vector<1024x1xf32>,
    %swap3A_81 = arith.constant 0 : index
    %swap3A_82 = arith.constant 0 : index
    %swap3A_83 = vector.load %arg9[%swap3A_81, %swap3A_82] : memref<1024x1xf32, #tpu.memory_space<vmem>>, vector<1024x1xf32>
    tpu.vector_store %arg9[%swap3A_81, %swap3A_82], %add3A_34 {strides = array<i32>} : memref<1024x1xf32, #tpu.memory_space<vmem>>, vector<1024x1xf32>,
    %gt3A = arith.constant 0.000000e+00 : f32
    %gt3A_84 = vector.broadcast %gt3A : f32 to vector<1024x1xf32>
    %gt3A_85 = arith.cmpf ogt, %dot_general3A_3, %gt3A_84 : vector<1024x1xf32>
    %convert_element_type3A = arith.extui %gt3A_85 : vector<1024x1xi1> to vector<1024x1xi32>
    %convert_element_type3A_86 = arith.sitofp %convert_element_type3A : vector<1024x1xi32> to vector<1024x1xf32>
    %reduce_sum3A_87 = vector.shape_cast %convert_element_type3A_86 : vector<1024x1xf32> to vector<1x1024x1xf32>
    %reduce_sum3A_88 = arith.constant dense<0.000000e+00> : vector<1xf32>
    %reduce_sum3A_89 = vector.multi_reduction <add>, %reduce_sum3A_87, %reduce_sum3A_88 [1, 2] : vector<1x1024x1xf32> to vector<1xf32>
    %reduce_sum3A_90 = vector.shape_cast %reduce_sum3A_89 : vector<1xf32> to vector<1x1x1xf32>
    %reduce_sum3A_91 = vector.extract %reduce_sum3A_90[0, 0, 0] : f32 from vector<1x1x1xf32>
    %broadcast_in_dim3A_92 = vector.broadcast %reduce_sum3A_91 : f32 to vector<1x1xf32>
    %div3A_93 = arith.constant 1.024000e+03 : f32
    %div3A_94 = vector.broadcast %div3A_93 : f32 to vector<1x1xf32>
    %div3A_95 = arith.divf %broadcast_in_dim3A_92, %div3A_94 : vector<1x1xf32>
    %swap3A_96 = arith.constant 0 : index
    %swap3A_97 = arith.constant 0 : index
    %swap3A_98 = vector.load %arg7[%swap3A_96, %swap3A_97] : memref<1x1xf32, #tpu.memory_space<vmem>>, vector<1x1xf32>
    tpu.vector_store %arg7[%swap3A_96, %swap3A_97], %div3A_95 {strides = array<i32>} : memref<1x1xf32, #tpu.memory_space<vmem>>, vector<1x1xf32>,
    return
  }
}

</mosaic_0001>

<sc_bundles>
// kernel: kernel.5.cloned.1.call-start
scs
__scs_entry_jumppad:
0x0: {  	(pc) =	sbr.rel $0x88, $3  }
0x1: {  	(tag) =	ssettag $0x0;
	lr =	simm.s32 $0x1  }
0x2: {  	[smem:$0x3F9C] =	sst lr;
	_ =	strace $0xD0000000  }
0x3: {  	_ = 	snop  }
0x4: {  	_ = 	snop  }
0x5: {  	_ = 	snop  }
0x6: {  	_ = 	snop  }
0x7: {  	_ = 	snop  }
__scs_overlays_trampoline_lowered:
0x8: {  	[smem:$0x3FAB] =	sst s0  }
0x9: {  	[smem:$0x3FAC] =	sst s1  }
0xa: {  	[smem:$0x3FAD] =	sst s2  }
0xb: {  	[smem:$0x3FAE] =	sst s3  }
0xc: {  	[smem:$0x3FAF] =	sst s4  }
0xd: {  	[smem:$0x3FB0] =	sst s5  }
0xe: {  	[smem:$0x3FB1] =	sst s6  }
0xf: {  	[smem:$0x3FB2] =	sst s7  }
0x10: {  	[smem:$0x3FB3] =	sst s8  }
0x11: {  	[smem:$0x3FB4] =	sst s9;
	s0 =	simm.s32 @!p0 $0x0  }
0x12: {  	s1 =	sld [smem:$0x3F9A];
	s0 =	simm.s32 @p0 $0x1  }
0x13: {  	[smem:$0x3FB5] =	sst s0;
	s0 =	simm.s32 @!p1 $0x0  }
0x14: {  	s2 =	sld [smem:$0x3F99];
	s0 =	simm.s32 @p1 $0x1  }
0x15: {  	[smem:$0x3FB6] =	sst s0;
	s0 =	simm.s32 @!p2 $0x0  }
0x16: {  	s3 =	sld [smem:$0x3FDB];
	s0 =	simm.s32 @p2 $0x1  }
0x17: {  	s4 =	simm.s32 $0x1BF5;
	[smem:$0x3FB8] =	sst s0  }
0x18: {  	s0 =	sld [smem:$0x3F9B];
	_ =	swait.ge [sflag:s4], $0x0  }
0x19: {  	s7 =	sld [smem:$0x3F9C]  }
0x1a: {  	s8 =	sadd.s32 $0xFFFFE003, lr  }
0x1b: {  	s9 =	sadd.s32 $0xFFFFFEF7, lr;
	s5 =	simm.s32 $0xFFFFFFFF;
	p2 =	slt.u32 s8, $0xFFFFF086  }
0x1c: {  	p1 =	slt.u32 s9, $0xF7A;
	s5 =	simm.s32 @!p2 $0x0  }
0x1d: {  	s5 =	simm.s32 @p1 $0x1;
	p0 =	seq.s32 s7, s2  }
0x1e: {  	s7 =	smul.u32 @!p0 $0xF7A, s2;
	p2 =	seq.s32 @!p0 s5, $0x0  }
0x1f: {  	s9 =	smul.u32 $0xF7A, s1;
	s8 =	simm.s32 @!p0 $0x1BF5;
	p2 =	por !p2, p0  }
0x20: {  	[sflag:s8] =	ssyncset.s32 @!p0 $0xFFFFF086;
	s6 =	sadd.s32 @!p0 s3, s7;
	s7 =	simm.s32 @!p0 $0x108  }
0x21: {  	s3 =	sadd.s32 s3, s9;
	s6 =	sadd.s32 @!p0 $0x88, s6;
	s7 =	simm.s32 @p2 $0x1082  }
0x22: {  	[simem:s7], [sflag:s8] =	dma.local @!p0 [hbm:s6], $0xF7A  }
0x23: {  	s9 =	sor.u32 $0xD0000000, s2;
	s6 =	simm.s32 $0x108;
	_ =	swait.ge @!p0 [sflag:s8], $0x0  }
0x24: {  	s3 =	sadd.s32 $0x88, s3;
	s6 =	simm.s32 @!p1 $0x1082;
	[sflag:s4] =	ssyncset.s32 $0xFFFFF086  }
0x25: {  	[simem:s6], [sflag:s4] =	dma.local [hbm:s3], $0xF7A  }
0x26: {  	[smem:$0x3F9C] =	sst s1;
	(tag) =	ssettag s2;
	_ =	strace s9  }
0x27: {  	s1 =	sld [smem:$0x3FAC]  }
0x28: {  	s2 =	sld [smem:$0x3FAD]  }
0x29: {  	s4 =	sld [smem:$0x3FAF]  }
0x2a: {  	p0 =	seq.s32 s5, $0x0;
	s5 =	sld [smem:$0x3FB0]  }
0x2b: {  	s6 =	sld [smem:$0x3FB1]  }
0x2c: {  	s7 =	sld [smem:$0x3FB2]  }
0x2d: {  	s3 =	simm.s32 $0x108;
	s8 =	sld [smem:$0x3FB3]  }
0x2e: {  	s3 =	simm.s32 @!p0 $0x1082;
	s9 =	sld [smem:$0x3FB4]  }
0x2f: {  	lr =	sadd.s32 s0, s3;
	s0 =	sld [smem:$0x3FAB]  }
0x30: {  	s3 =	sld [smem:$0x3FAE]  }
0x31: {  	[smem:$0x3FB7] =	sst s10  }
0x32: {  	s10 =	sld [smem:$0x3FB5];
	_ =	sdelay $0x3  }
0x33: {  	p0 =	seq.s32 s10, $0x1;
	s10 =	sld [smem:$0x3FB7];
	_ =	sdelay $0x3  }
0x34: {  	[smem:$0x3FB7] =	sst s10  }
0x35: {  	s10 =	sld [smem:$0x3FB6];
	_ =	sdelay $0x3  }
0x36: {  	p1 =	seq.s32 s10, $0x1;
	s10 =	sld [smem:$0x3FB7];
	_ =	sdelay $0x3  }
0x37: {  	[smem:$0x3FB7] =	sst s10  }
0x38: {  	s10 =	sld [smem:$0x3FB8]  }
0x39: {  	_ = 	snop;
	(pc) =	sbr.ind lr, $3  }
0x3a: {  	_ = 	snop  }
0x3b: {  	_ = 	snop  }
0x3c: {  	p2 =	seq.s32 s10, $0x1;
	s10 =	sld [smem:$0x3FB7]  }
0x3d: {  	_ =	shalt  }
0x3e: {  	_ =	shalt  }
0x3f: {  	_ =	shalt  }
0x40: {  	_ =	shalt  }
0x41: {  	_ =	shalt  }
0x42: {  	_ =	shalt  }
0x43: {  	_ =	shalt  }
0x44: {  	_ =	shalt  }
0x45: {  	_ =	shalt  }
0x46: {  	_ =	shalt  }
0x47: {  	_ =	shalt  }
0x48: {  	_ =	shalt  }
0x49: {  	_ =	shalt  }
0x4a: {  	_ =	shalt  }
0x4b: {  	_ =	shalt  }
0x4c: {  	_ =	shalt  }
0x4d: {  	_ =	shalt  }
0x4e: {  	_ =	shalt  }
0x4f: {  	_ =	shalt  }
0x50: {  	_ =	shalt  }
0x51: {  	_ =	shalt  }
0x52: {  	_ =	shalt  }
0x53: {  	_ =	shalt  }
0x54: {  	_ =	shalt  }
0x55: {  	_ =	shalt  }
0x56: {  	_ =	shalt  }
0x57: {  	_ =	shalt  }
0x58: {  	_ =	shalt  }
0x59: {  	_ =	shalt  }
0x5a: {  	_ =	shalt  }
0x5b: {  	_ =	shalt  }
0x5c: {  	_ =	shalt  }
0x5d: {  	_ =	shalt  }
0x5e: {  	_ =	shalt  }
0x5f: {  	_ =	shalt  }
0x60: {  	_ =	shalt  }
0x61: {  	_ =	shalt  }
0x62: {  	_ =	shalt  }
0x63: {  	_ =	shalt  }
0x64: {  	_ =	shalt  }
0x65: {  	_ =	shalt  }
0x66: {  	_ =	shalt  }
0x67: {  	_ =	shalt  }
0x68: {  	_ =	shalt  }
0x69: {  	_ =	shalt  }
0x6a: {  	_ =	shalt  }
0x6b: {  	_ =	shalt  }
0x6c: {  	_ =	shalt  }
0x6d: {  	_ =	shalt  }
0x6e: {  	_ =	shalt  }
0x6f: {  	_ =	shalt  }
0x70: {  	_ =	shalt  }
0x71: {  	_ =	shalt  }
0x72: {  	_ =	shalt  }
0x73: {  	_ =	shalt  }
0x74: {  	_ =	shalt  }
0x75: {  	_ =	shalt  }
0x76: {  	_ =	shalt  }
0x77: {  	_ =	shalt  }
0x78: {  	_ =	shalt  }
0x79: {  	_ =	shalt  }
0x7a: {  	_ =	shalt  }
0x7b: {  	_ =	shalt  }
0x7c: {  	_ =	shalt  }
0x7d: {  	_ =	shalt  }
0x7e: {  	_ =	shalt  }
0x7f: {  	_ =	shalt  }
0x80: {  	_ =	shalt  }
0x81: {  	_ =	shalt  }
0x82: {  	_ =	shalt  }
0x83: {  	_ =	shalt  }
0x84: {  	_ =	shalt  }
0x85: {  	_ =	shalt  }
0x86: {  	_ =	shalt  }
0x87: {  	_ =	shalt  }
.Lfunc_end0:
.L_simem_size_0:
called_computation_lowered:
.L_overlay_start_0:
0x88: {  	s2 =	sld [smem:$0x3FD9]  }
0x89: {  	s3 =	sld [smem:$0x3FFE];
	_ =	sdelay $0x1  }
0x8a: {  	s1 =	srdreg.scid  }
0x8b: {  	s0 =	sand.u32 $0x1, s1  }
0x8c: {  	s14 =	sshll.u32 s0, $0xA;
	s2 =	sadd.s32 s3, s2  }
0x8d: {  	s2 =	sadd.s32 s2, s14  }
0x8e: {  	[smem:$0x3FC3] =	sst s2  }
0x8f: {  	_ = 	snop  }
0x90: {  	s2 =	sld [smem:$0x3FD0];
	_ =	sdelay $0x2  }
0x91: {  	s15 =	simm.s32 $0xA;
	s4 =	simm.s32 $0x10  }
0x92: {  	[smem:s4], [sflag:s15] =	dma.local [hbm:s2], $0x1  }
0x93: {  	_ =	swait.eq [sflag:s15], $0x1  }
0x94: {  	s16 =	sld [smem:$0x10]  }
0x95: {  	s17 =	sld [smem:$0x11]  }
0x96: {  	s5 =	sld [smem:$0x14];
	[sflag:s15] =	ssyncset.done $0x0  }
0x97: {  	s6 =	sld [smem:$0x15];
	[sflag:s15] =	ssyncadd.s32 $0xFFFFFFFF  }
0x98: {  	s18 =	sld [smem:$0x16];
	(tm) =	ssettm $0x1  }
0x99: {  	s7 =	sld [smem:$0x3FFB];
	_ =	sdelay $0x3  }
0x9a: {  	_ =	strace s7  }
0x9b: {  	s7 =	sld [smem:$0x3FFC];
	_ =	sdelay $0x3  }
0x9c: {  	_ =	strace s7  }
0x9d: {  	s7 =	sld [smem:$0x3FFD];
	_ =	sdelay $0x3  }
0x9e: {  	_ =	strace s7  }
0x9f: {  	_ =	strace $0x8FFFFFFF  }
0xa0: {  	s19 =	sld [smem:$0x3FDB];
	_ =	sdelay $0x1  }
0xa1: {  	s8 =	simm.s32 $_scs_section_size  }
0xa2: {  	s9 =	simm.s32 $_size__tile_overlayer_lowered;
	s10 =	simm.s32 $_tile_overlayer_lowered  }
0xa3: {  	s22 =	simm.s32 $0x1BFF;
	s21 =	sshll.u32 s10, $0x1;
	s7 =	sadd.s32 s8, s19  }
0xa4: {  	s11 =	simm.s32 $0x0;
	s20 =	sshll.u32 s9, $0x1;
	s9 =	sadd.s32 s21, s7  }
0xa5: {  	[timem:s11], [sflag:s22] =	dma.local [hbm:s9], s20  }
0xa6: {  	_ =	swait.ge [sflag:s22], s20  }
0xa7: {  	s8 =	ssub.s32 $0x0, s20;
	[sflag:s22] =	ssyncset.done $0x0  }
0xa8: {  	[sflag:s22] =	ssyncadd.s32 s8;
	_ =	sdelay $0x1  }
0xa9: {  	s23 =	simm.s32 $0x1B8B  }
0xaa: {  	_ =	swait.ge [sflag:s23], $0x1  }
0xab: {  	[sflag:s23] =	ssyncset.done $0x0  }
0xac: {  	s25 =	simm.s32 $0x1B8E;
	s24 =	sld [smem:$0x3FFE];
	[sflag:s23] =	ssyncadd.s32 $0xFFFFFFFF  }
0xad: {  	s26 =	simm.s32 $execute0_lowered;
	[smem:$0x3FD2] =	sst s25  }
0xae: {  	s9 =	sshll.u32 s26, $0x1;
	_ =	strace $0x80000046;
	[dreg:$0x1] =	wrdreg $0xFFFFFFFF  }
0xaf: {  	s28 =	simm.s32 $_size_execute0_lowered;
	s7 =	sadd.s32 s7, s9;
	[dreg:$0x0] =	wrdreg $0x0  }
0xb0: {  	s9 =	sshll.u32 s28, $0x1;
	[dreg:$0x2] =	wrdreg s7  }
0xb1: {  	[dreg:$0x3] =	wrdreg s9  }
0xb2: {  	[dreg:$0x4] =	wrdreg $0xC0  }
0xb3: {  	_ =	task [dreg:s11], $0x5FFFF  }
0xb4: {  	[dreg:$0x1] =	wrdreg $0xFFFFFFFF  }
0xb5: {  	[dreg:$0x0] =	wrdreg $0x60  }
0xb6: {  	[dreg:$0x2] =	wrdreg s17  }
0xb7: {  	[dreg:$0x3] =	wrdreg s6  }
0xb8: {  	[dreg:$0x4] =	wrdreg s16  }
0xb9: {  	[dreg:$0x5] =	wrdreg s24  }
0xba: {  	[dreg:$0x6] =	wrdreg s5  }
0xbb: {  	[dreg:$0x7] =	wrdreg s18  }
0xbc: {  	[dreg:$0x8] =	wrdreg $0x55800  }
0xbd: {  	[dreg:$0x9] =	wrdreg $0x9  }
0xbe: {  	_ =	task.clear_ibuf [dreg:s11], $0xAFFFF;
	_ =	strace $0x90000046  }
0xbf: {  	s29 =	simm.s32 $0x9;
	_ =	strace $0x80000048  }
0xc0: {  	_ =	swait.ge [sflag:s29], $0x1  }
0xc1: {  	[sflag:s29] =	ssyncadd.s32 $0xFFFFFFFF  }
0xc2: {  	_ =	strace $0x90000048  }
0xc3: {  	_ =	sfence  }
0xc4: {  	s30 =	sld [smem:$0x0];
	_ =	sdelay $0x2  }
0xc5: {  	s31 =	sshll.u32 s1, $0xD;
	s1 =	sshrl.u32 s1, $0x2  }
0xc6: {  	s3 =	sand.u32 $0x4000, s31;
	s1 =	sadd.s32 s1, s30  }
0xc7: {  	s0 =	sor.u32 s3, s0;
	s1 =	sshll.u32 s1, $0x11  }
0xc8: {  	s0 =	sor.u32 s1, s0  }
0xc9: {  	s0 =	sadd.s32 $0x8F2B, s0  }
0xca: {  	[sflag:s0] =	ssyncadd.remote.s32 $0x1  }
0xcb: {  	_ =	sfence.sel $0xFFFF  }
0xcc: {  	[dreg:$0x0] =	wrdreg $0xFFFFFFFF;
	(pc) =	sbr.abs _section_cstart, $3  }
0xcd: {  	[dreg:$0x1] =	wrdreg $0xFFFFFFFF  }
0xce: {  	_ =	task.clear_ibuf [dreg:s11], $0x2FFFF;
	_ =	strace $0x9FFFFFFF  }
0xcf: {  	(tm) =	ssettm $0x7FFFFFFF  }
tec
execute0_lowered:
.L_overlay_start_1:
0x0: {  	(tag) =	ssettag $0x1  }
0x1: {  	s7 =	rddreg [dreg:$0x0]  }
0x2: {  	s9 =	rddreg [dreg:$0x1]  }
0x3: {  	s11 =	rddreg [dreg:$0x2]  }
0x4: {  	s8 =	rddreg [dreg:$0x3]  }
0x5: {  	s1 =	rddreg [dreg:$0x4]  }
0x6: {  	s12 =	rddreg [dreg:$0x5]  }
0x7: {  	s2 =	rddreg [dreg:$0x6]  }
0x8: {  	s0 =	rddreg [dreg:$0x7]  }
0x9: {  	s3 =	simm.s32 $0x0;
	s4 =	srdreg.scid;
	s16 =	stileid.u32  }
0xa: {  	s22 =	simm.s32 $0x20;
	s23 =	simm.s32 $0x4180;
	s24 =	simm.s32 $0x5180  }
0xb: {  	s25 =	simm.s32 $0x80;
	s28 =	simm.s32 $0x2100;
	[smem:$0x7FF] =	sst s3  }
0xc: {  	s10 =	sand.u32 $0x1, s4;
	s5 =	sshll.u32 s16, $0x1;
	s4 =	sadd.s32 $0x5400, s8  }
0xd: {  	s6 =	sadd.s32 $0xD400, s8;
	p0 =	sne.s32 s16, $0x0;
	_ =	strace $0x80000047  }
0xe: {  	s13 =	sor.u32 s10, s5;
	s5 =	sadd.s32 $0x1400, s8;
	s18 =	sshll.u32 s10, $0xE  }
0xf: {  	s26 =	ssub.s32 $0x2, s10;
	s16 =	sshrl.u32 @!p0 s2, $0x3;
	s14 =	sshll.u32 s13, $0xA  }
0x10: {  	s17 =	sshll.u32 s13, $0x9;
	s18 =	sadd.s32 s18, s8;
	s10 =	sshrl.u32 s26, $0x1  }
0x11: {  	s19 =	sshll.u32 s13, $0x3;
	s20 =	sshll.u32 s13, $0x7;
	s13 =	sshll.u32 s13, $0x2  }
0x12: {  	s15 =	sadd.s32 s14, s8;
	s17 =	sadd.s32 s17, s8;
	s21 =	ssub.s32 s26, s10  }
0x13: {  	s7 =	sadd.s32 s7, s19;
	s29 =	sor.u32 s20, s14;
	s9 =	sadd.s32 s9, s13  }
0x14: {  	s11 =	sadd.s32 s11, s19;
	s13 =	sadd.s32 s4, s14;
	s14 =	sadd.s32 $0x19400, s18  }
0x15: {  	s18 =	simm.s32 $0x40;
	s19 =	simm.s32 $0x100;
	s20 =	simm.s32 $0x1  }
0x16: {  	s26 =	simm.s32 $0x400;
	s8 =	sadd.s32 $0x11400, s15;
	s30 =	sand.u32 $0x6380, s29  }
0x17: {  	s10 =	sadd.s32 $0x21400, s17;
	s15 =	smax.u32 s21, $0x1;
	s31 =	sshrl.u32 s30, $0x3  }
0x18: {  	s17 =	simm.s32 $0x2;
	s21 =	simm.s32 $0x4100;
	s12 =	sadd.s32 s12, s31  }
.LBB2_1:
0x19: {  	s30 =	simm.s32 @!p0 $0x1C02;
	s29 =	simm.s32 @!p0 $0x2  }
0x1a: {  	[spmem:s16], [sflag:s30] =	dma.local @!p0 [hbm:s6], $0x4000  }
0x1b: {  	_ =	swait.ge @!p0 [sflag:s29], $0x4000  }
0x1c: {  	[sflag:s29] =	ssyncset.done @!p0 $0x0  }
0x1d: {  	[sflag:s29] =	ssyncadd.s32 @!p0 $0xFFFFC000  }
0x1e: {  	[tilespmem:s3], [sflag:$0x2] =	stream.linear.gather [hbm4b:s7+s3], $0x40, $0x38;
	[tilespmem:$0x7580] =	vst v63  }
0x1f: {  	_ =	swait.ge [sflag:s17], $0x40  }
0x20: {  	[sflag:s17] =	ssyncset.done $0x0  }
0x21: {  	[sflag:s17] =	ssyncadd.s32 $0xFFFFFFC0  }
0x22: {  	[tilespmem:s19], [sflag:$0x1] =	stream.indirect.gather [hbm4b:s5+s18], $0x80, s3, s18, $0xb8;
	[tilespmem:$0x7580] =	vst v63  }
0x23: {  	_ =	swait.ge [sflag:s20], $0x2000  }
0x24: {  	[sflag:s20] =	ssyncset.done $0x0  }
0x25: {  	[sflag:s20] =	ssyncadd.s32 $0xFFFFE000  }
0x26: {  	[hbm4b:s8+s3] =	stream.linear.scatter [tilespmem:s19], [sflag:$0x2], $0x2000, $0x38;
	[tilespmem:$0x7580] =	vst v63  }
0x27: {  	_ =	swait.ge [sflag:s17], $0x2000  }
0x28: {  	[sflag:s17] =	ssyncset.done $0x0  }
0x29: {  	[sflag:s17] =	ssyncadd.s32 $0xFFFFE000  }
0x2a: {  	[tilespmem:s21], [sflag:$0x2] =	stream.linear.gather [hbm4b:s9+s3], $0x20, $0x38;
	[tilespmem:$0x7580] =	vst v63  }
0x2b: {  	_ =	swait.ge [sflag:s17], $0x20  }
0x2c: {  	[sflag:s17] =	ssyncset.done $0x0  }
0x2d: {  	[sflag:s17] =	ssyncadd.s32 $0xFFFFFFE0  }
0x2e: {  	[tilespmem:s23], [sflag:$0x1] =	stream.indirect.gather [hbm4b:s4+s22], $0x80, s21, s22, $0xb8;
	[tilespmem:$0x7580] =	vst v63  }
0x2f: {  	_ =	swait.ge [sflag:s20], $0x1000  }
0x30: {  	[sflag:s20] =	ssyncset.done $0x0  }
0x31: {  	[sflag:s20] =	ssyncadd.s32 $0xFFFFF000  }
0x32: {  	[hbm4b:s10+s3] =	stream.linear.scatter [tilespmem:s23], [sflag:$0x2], $0x1000, $0x38;
	[tilespmem:$0x7580] =	vst v63  }
0x33: {  	_ =	swait.ge [sflag:s17], $0x1000  }
0x34: {  	[sflag:s17] =	ssyncset.done $0x0  }
0x35: {  	[sflag:s17] =	ssyncadd.s32 $0xFFFFF000  }
0x36: {  	[tilespmem:s24], [sflag:$0x2] =	stream.linear.gather [hbm4b:s1+s3], $0x400, $0x38;
	[tilespmem:$0x7580] =	vst v63  }
0x37: {  	_ =	swait.ge [sflag:s17], $0x400  }
0x38: {  	[sflag:s17] =	ssyncset.done $0x0  }
0x39: {  	[sflag:s17] =	ssyncadd.s32 $0xFFFFFC00  }
0x3a: {  	[tilespmem:s25], [sflag:$0x2] =	stream.linear.gather [hbm4b:s11+s3], $0x40, $0x38;
	[tilespmem:$0x7580] =	vst v63  }
0x3b: {  	_ =	swait.ge [sflag:s17], $0x40  }
0x3c: {  	[sflag:s17] =	ssyncset.done $0x0  }
0x3d: {  	[sflag:s17] =	ssyncadd.s32 $0xFFFFFFC0  }
0x3e: {  	v0 =	vld [tilespmem:$0x0];
	_ =	sdelay $0x2  }
0x3f: {  	v1 =	vld [tilespmem:$0x80];
	_ =	sdelay $0x4  }
0x40: {  	[tilespmem:v0+s24+$0x0] =	vst.idx.add.f32.msk $0xffff, v1  }
0x41: {  	v0 =	vld [tilespmem:$0x10];
	_ =	sdelay $0x2  }
0x42: {  	v1 =	vld [tilespmem:$0x90];
	_ =	sdelay $0x4  }
0x43: {  	[tilespmem:v0+s24+$0x0] =	vst.idx.add.f32.msk $0xffff, v1  }
0x44: {  	v0 =	vld [tilespmem:$0x20];
	_ =	sdelay $0x2  }
0x45: {  	v1 =	vld [tilespmem:$0xA0];
	_ =	sdelay $0x4  }
0x46: {  	[tilespmem:v0+s24+$0x0] =	vst.idx.add.f32.msk $0xffff, v1  }
0x47: {  	v0 =	vld [tilespmem:$0x30];
	_ =	sdelay $0x2  }
0x48: {  	v1 =	vld [tilespmem:$0xB0];
	_ =	sdelay $0x4  }
0x49: {  	[tilespmem:v0+s24+$0x0] =	vst.idx.add.f32.msk $0xffff, v1  }
0x4a: {  	[hbm4b:s12+s25] =	stream.strided.scatter [tilespmem:s24], [sflag:$0x2], $0x400, s26, s25, $0x38;
	[tilespmem:$0x7580] =	vst v63  }
0x4b: {  	_ =	swait.ge [sflag:s17], $0x400  }
0x4c: {  	[sflag:s17] =	ssyncset.done $0x0  }
0x4d: {  	[sflag:s17] =	ssyncadd.s32 $0xFFFFFC00  }
0x4e: {  	[tilespmem:s28], [sflag:$0x2] =	stream.linear.gather [hbm4b:s13+s3], $0x2000, $0x38;
	[tilespmem:$0x7580] =	vst v63  }
0x4f: {  	_ =	swait.ge [sflag:s17], $0x2000  }
0x50: {  	[sflag:s17] =	ssyncset.done $0x0  }
0x51: {  	[sflag:s17] =	ssyncadd.s32 $0xFFFFE000  }
0x52: {  	[bflag:$0x0] =	sbarrier.arrive $0xFFFF  }
0x53: {  	[spmem:s2] =	stream.indirect.scatter.add.f32 [tilespmem:s28], [sflag:$0x2], $0x80, s3, s18, $0xb8;
	[tilespmem:$0x7580] =	vst v63  }
0x54: {  	_ =	swait.ge [sflag:s17], $0x2000  }
0x55: {  	s15 =	sadd.s32 $0xFFFFFFFF, s15;
	[sflag:s17] =	ssyncset.done $0x0  }
0x56: {  	p1 =	sne.s32 s15, $0x0;
	[sflag:s17] =	ssyncadd.s32 $0xFFFFE000  }
.Ltmp0:
0x57: {  	[bflag:$0x0] =	sbarrier.arrive $0xFFFF;
	(pc) =	sbr.rel @p1 .LBB2_1-.Ltmp0, $4  }
0x58: {  	[hbm:s14], [sflag:s30] =	dma.local @!p0 [spmem:s16], $0x4000  }
0x59: {  	_ =	swait.ge @!p0 [sflag:s29], $0x4000  }
0x5a: {  	[sflag:s29] =	ssyncset.done @!p0 $0x0  }
0x5b: {  	[sflag:s29] =	ssyncadd.s32 @!p0 $0xFFFFC000  }
0x5c: {  	_ =	sfence.sel $0x180000  }
0x5d: {  	[bflag:$0x0] =	sbarrier.arrive $0xFFFF  }
0x5e: {  	_ =	strace $0x90000047  }
0x5f: {  	s0 =	sadd.s32 @!p0 $0x100000, s0;
	[bflag:$0x2] =	sbarrier.arrive $0xFFFF  }
0x60: {  	[sflag:s0] =	ssyncadd.tile.s32 @!p0 $0x1;
	_ =	shalt  }
.Lfunc_end2:
_tile_overlayer_lowered:
.L_overlay_start_2:
0x61: {  	(tag) =	ssettag $0x2  }
0x62: {  	s0 =	rddreg [dreg:$0x0];
	s2 =	stileid.u32  }
0x63: {  	s1 =	rddreg [dreg:$0x1];
	p0 =	sne.s32 s2, $0x0  }
0x64: {  	s3 =	rddreg [dreg:$0x2];
	[bflag:$0x3] =	sbarrier.arrive $0xFFFF;
	s2 =	simm.s32 @!p0 $0x1C02  }
0x65: {  	[timem:s3], [sflag:s2] =	dma.local @!p0 [hbm:s0], s1  }
0x66: {  	s0 =	simm.s32 @!p0 $0x2  }
0x67: {  	_ =	swait.ge @!p0 [sflag:s0], s1  }
0x68: {  	s1 =	ssub.s32 @!p0 $0x0, s1;
	[sflag:s0] =	ssyncset.done @!p0 $0x0  }
0x69: {  	[sflag:s0] =	ssyncadd.s32 @!p0 s1  }
0x6a: {  	[bflag:$0x3] =	sbarrier.arrive $0xFFFF  }
0x6b: {  	_ =	shalt  }

</sc_bundles>
